<compile_context>
chip_gen: v7x
topology: tpu7x:2x2x1
jax: 0.10.2.dev20260603
libtpu: 0.0.44.dev20260713+nightly
codegen_flags: <defaults>
</compile_context>

<pallas_src>
import functools

import jax
import jax.numpy as jnp
from jax import lax
from jax.experimental import pallas as pl
from jax.experimental.pallas import tpu as pltpu
from jax.experimental.pallas import tpu_sc as plsc

N = 10000
NP = 10112
H = 16
NC = 2
NS = 16
CHUNK = 128
CPW = 80
EP = NC * NS * CPW * CHUNK
RPS = NP // NS

_f32 = jnp.float32


def _sc_body(table, srcp, dstp, out, sidx, didx, rows, tmp, shared, sem):
    c = lax.axis_index("c")
    s = lax.axis_index("s")
    wid = c * NS + s
    r0 = s * RPS
    pltpu.sync_copy(table.at[pl.ds(r0, RPS)], tmp)
    pltpu.sync_copy(tmp, shared.at[pl.ds(r0, RPS)])
    pltpu.sync_copy(srcp.at[pl.ds(wid * CPW, CPW)], sidx)
    pltpu.sync_copy(dstp.at[pl.ds(wid * CPW, CPW)], didx)
    plsc.subcore_barrier()

    def body(j, carry):
        pltpu.async_copy(table.at[sidx.at[j]], rows, sem).wait()
        pltpu.sync_copy(rows, shared.at[didx.at[j]], add=True)
        return carry

    lax.fori_loop(0, CPW, body, 0)
    plsc.subcore_barrier()
    pltpu.sync_copy(shared.at[pl.ds(r0, RPS)], tmp)
    pltpu.sync_copy(tmp, out.at[c, pl.ds(r0, RPS)])


_sc_prop = functools.partial(
    pl.kernel,
    out_type=jax.ShapeDtypeStruct((NC, NP, H), _f32),
    mesh=plsc.VectorSubcoreMesh(core_axis_name="c", subcore_axis_name="s"),
    scratch_types=[
        pltpu.VMEM((CPW, CHUNK), jnp.int32),
        pltpu.VMEM((CPW, CHUNK), jnp.int32),
        pltpu.VMEM((CHUNK, H), _f32),
        pltpu.VMEM((RPS, H), _f32),
        pltpu.VMEM_SHARED((NP, H), _f32),
        pltpu.SemaphoreType.DMA,
    ],
    compiler_params=pltpu.CompilerParams(use_tc_tiling_on_sc=False),
)(_sc_body)


def _tc_a_body(x, w1, d0, d1, dinv, ys1):
    dv = lax.rsqrt(d0[...] + d1[...] - 1.0)
    dinv[...] = dv
    ys1[...] = dv * jnp.dot(x[...], w1[...], preferred_element_type=_f32)


def _tc_d_body(p0, p1, ys1, dinv, b1, w2, x1, ys2):
    dv = dinv[...]
    xx = jnp.maximum(dv * (p0[...] + p1[...] - ys1[...]) + b1[...], 0.0)
    x1[...] = xx
    ys2[...] = dv * jnp.dot(xx, w2[...], preferred_element_type=_f32)


def _lstm_cell(x, h, c, wih, whh, b):
    g = jnp.dot(x, wih, preferred_element_type=_f32) + b
    if h is not None:
        g = g + jnp.dot(h, whh, preferred_element_type=_f32)
    i = jax.nn.sigmoid(g[:, 0:32])
    f = jax.nn.sigmoid(g[:, 32:64])
    gg = jnp.tanh(g[:, 64:96])
    o = jax.nn.sigmoid(g[:, 96:128])
    cn = i * gg if c is None else f * c + i * gg
    return o * jnp.tanh(cn), cn


def _tc_f_body(p0, p1, ys2, dinv, b2, x1r, wihf, whhf, bff, wihb, whhb, bbb,
               watt, ys3):
    dv = dinv[...]
    x1 = x1r[...]
    x2 = jnp.maximum(dv * (p0[...] + p1[...] - ys2[...]) + b2[...], 0.0)
    hf1, cf1 = _lstm_cell(x1, None, None, wihf[...], whhf[...], bff[...])
    hf2, _ = _lstm_cell(x2, hf1, cf1, wihf[...], whhf[...], bff[...])
    hb1, cb1 = _lstm_cell(x2, None, None, wihb[...], whhb[...], bbb[...])
    hb2, _ = _lstm_cell(x1, hb1, cb1, wihb[...], whhb[...], bbb[...])
    w = watt[...]
    a0 = jnp.sum(jnp.concatenate([hf1, hb2], 1) * w, 1, keepdims=True)
    a1 = jnp.sum(jnp.concatenate([hf2, hb1], 1) * w, 1, keepdims=True)
    a = jax.nn.sigmoid(a0 - a1)
    ys3[...] = dv * (a * x1 + (1.0 - a) * x2)


def _tc_h_body(p0, p1, ys3, dinv, wlin, blin, out):
    xp = dinv[...] * (p0[...] + p1[...] - ys3[...])
    z = jnp.dot(xp, wlin[...], preferred_element_type=_f32) + blin[...]
    m = jnp.max(z, 1, keepdims=True)
    out[...] = z - m - jnp.log(jnp.sum(jnp.exp(z - m), 1, keepdims=True))


_R = 2000


def _row_spec(width):
    return pl.BlockSpec((_R, width), lambda i: (i, 0))


def _full_spec(shape):
    return pl.BlockSpec(shape, lambda i: (0,) * len(shape))


def _call(body, in_widths, n_out):
    in_specs = [_row_spec(w) if isinstance(w, int) else _full_spec(w)
                for w in in_widths]
    return pl.pallas_call(
        body,
        grid=(N // _R,),
        in_specs=in_specs,
        out_specs=[_row_spec(H)] * n_out,
        out_shape=[jax.ShapeDtypeStruct((N, H), _f32) for _ in range(n_out)],
    )


def _pad_rows(y):
    return jnp.concatenate([y, jnp.zeros((NP - N, H), _f32)], axis=0)


def kernel(x, edge_index, W1, b1, W2, b2, W_ih_f, W_hh_f, b_ih_f, b_hh_f,
           W_ih_b, W_hh_b, b_ih_b, b_hh_b, W_att, b_att, W_lin, b_lin):
    E = edge_index.shape[1]
    src = jnp.concatenate(
        [edge_index[0], jnp.zeros((EP - E,), jnp.int32)]).reshape(-1, CHUNK)
    dst = jnp.concatenate(
        [edge_index[1], jnp.full((EP - E,), N, jnp.int32)]).reshape(-1, CHUNK)

    ones_t = jnp.ones((NP, H), _f32)
    degp = _sc_prop(ones_t, src, dst)
    dinv, ys1 = _call(_tc_a_body, [128, (128, 16), 16, 16], 2)(
        x, W1, degp[0, :N], degp[1, :N])

    p = _sc_prop(_pad_rows(ys1), src, dst)
    x1, ys2 = _call(_tc_d_body, [16, 16, 16, 16, (1, 16), (16, 16)], 2)(
        p[0, :N], p[1, :N], ys1, dinv, b1.reshape(1, H), W2)

    p = _sc_prop(_pad_rows(ys2), src, dst)
    (ys3,) = _call(_tc_f_body,
                   [16, 16, 16, 16, (1, 16), 16, (16, 128), (32, 128),
                    (1, 128), (16, 128), (32, 128), (1, 128), (1, 64)], 1)(
        p[0, :N], p[1, :N], ys2, dinv, b2.reshape(1, H), x1,
        W_ih_f.T, W_hh_f.T, (b_ih_f + b_hh_f).reshape(1, -1),
        W_ih_b.T, W_hh_b.T, (b_ih_b + b_hh_b).reshape(1, -1), W_att)

    p = _sc_prop(_pad_rows(ys3), src, dst)
    (out,) = _call(_tc_h_body, [16, 16, 16, 16, (16, 16), (1, 16)], 1)(
        p[0, :N], p[1, :N], ys3, dinv, W_lin, b_lin.reshape(1, -1))
    return out

# --- scband reference (transcript-rebuilt; emitter-appended) ---
"""Pipeline reference for scband-gcn-jknet-8323646620243 (READ-ONLY COPY).

The authoritative reference and input builder live on the scoring server;
editing this copy changes nothing except your own understanding.
"""

import jax, jax.numpy as jnp
import numpy as np

N_NODES = 10000
N_EDGES = 320000
D_FEAT = 128
HID = 16
N_CLASSES = 16
LSTM_H = 32  # (num_layers * channels) // 2 = (4 * 16) // 2


def _gcn_norm(edge_index, n):
    src, dst = edge_index[0], edge_index[1]
    loop = jnp.arange(n, dtype=src.dtype)
    src = jnp.concatenate([src, loop])
    dst = jnp.concatenate([dst, loop])
    deg = jax.ops.segment_sum(jnp.ones(src.shape[0], dtype=jnp.float32), dst, num_segments=n)
    dinv = jnp.where(deg > 0, 1.0 / jnp.sqrt(deg), 0.0)
    norm = dinv[src] * dinv[dst]
    return src, dst, norm


def _propagate(x, src, dst, norm, n):
    return jax.ops.segment_sum(x[src] * norm[:, None], dst, num_segments=n)


def _lstm(seq, W_ih, W_hh, b_ih, b_hh):
    Nn = seq.shape[1]
    H = W_hh.shape[1]

    def step(carry, x_t):
        h, c = carry
        gates = x_t @ W_ih.T + h @ W_hh.T + b_ih + b_hh
        i, f, g, o = jnp.split(gates, 4, axis=-1)
        i = jax.nn.sigmoid(i)
        f = jax.nn.sigmoid(f)
        g = jnp.tanh(g)
        o = jax.nn.sigmoid(o)
        c = f * c + i * g
        h = o * jnp.tanh(c)
        return (h, c), h

    h0 = jnp.zeros((Nn, H), dtype=seq.dtype)
    c0 = jnp.zeros((Nn, H), dtype=seq.dtype)
    _, hs = jax.lax.scan(step, (h0, c0), seq)
    return hs


def setup_inputs(seed: int = 0):
    key = jax.random.key(seed)
    ks = jax.random.split(key, 12)
    s = 0.1
    x = jax.random.normal(ks[0], (N_NODES, D_FEAT), dtype=jnp.float32)
    edge_index = jax.random.randint(ks[1], (2, N_EDGES), 0, N_NODES, dtype=jnp.int32)
    W1 = jax.random.normal(ks[2], (D_FEAT, HID), dtype=jnp.float32) * s
    b1 = jnp.zeros((HID,), dtype=jnp.float32)
    W2 = jax.random.normal(ks[3], (HID, HID), dtype=jnp.float32) * s
    b2 = jnp.zeros((HID,), dtype=jnp.float32)
    W_ih_f = jax.random.normal(ks[4], (4 * LSTM_H, HID), dtype=jnp.float32) * s
    W_hh_f = jax.random.normal(ks[5], (4 * LSTM_H, LSTM_H), dtype=jnp.float32) * s
    b_ih_f = jnp.zeros((4 * LSTM_H,), dtype=jnp.float32)
    b_hh_f = jnp.zeros((4 * LSTM_H,), dtype=jnp.float32)
    W_ih_b = jax.random.normal(ks[6], (4 * LSTM_H, HID), dtype=jnp.float32) * s
    W_hh_b = jax.random.normal(ks[7], (4 * LSTM_H, LSTM_H), dtype=jnp.float32) * s
    b_ih_b = jnp.zeros((4 * LSTM_H,), dtype=jnp.float32)
    b_hh_b = jnp.zeros((4 * LSTM_H,), dtype=jnp.float32)
    W_att = jax.random.normal(ks[8], (1, 2 * LSTM_H), dtype=jnp.float32) * s
    b_att = jnp.zeros((1,), dtype=jnp.float32)
    W_lin = jax.random.normal(ks[9], (HID, N_CLASSES), dtype=jnp.float32) * s
    b_lin = jnp.zeros((N_CLASSES,), dtype=jnp.float32)
    return {"x": x, "edge_index": edge_index, "W1": W1, "b1": b1, "W2": W2, "b2": b2,
            "W_ih_f": W_ih_f, "W_hh_f": W_hh_f, "b_ih_f": b_ih_f, "b_hh_f": b_hh_f,
            "W_ih_b": W_ih_b, "W_hh_b": W_hh_b, "b_ih_b": b_ih_b, "b_hh_b": b_hh_b,
            "W_att": W_att, "b_att": b_att, "W_lin": W_lin, "b_lin": b_lin}


def reference(x, edge_index, W1, b1, W2, b2, W_ih_f, W_hh_f, b_ih_f, b_hh_f,
              W_ih_b, W_hh_b, b_ih_b, b_hh_b, W_att, b_att, W_lin, b_lin):
    n = x.shape[0]
    src, dst, norm = _gcn_norm(edge_index, n)
    # conv1 -> relu (dropout is identity in eval mode)
    x1 = jax.nn.relu(_propagate(x @ W1, src, dst, norm, n) + b1)
    # conv2 -> relu
    x2 = jax.nn.relu(_propagate(x1 @ W2, src, dst, norm, n) + b2)
    # JumpingKnowledge (lstm mode): bi-LSTM attention over layer dimension
    xs = jnp.stack([x1, x2], axis=0)  # [L, N, C]
    hf = _lstm(xs, W_ih_f, W_hh_f, b_ih_f, b_hh_f)
    hb = _lstm(xs[::-1], W_ih_b, W_hh_b, b_ih_b, b_hh_b)[::-1]
    h = jnp.concatenate([hf, hb], axis=-1)  # [L, N, 2H]
    alpha = jnp.squeeze(h @ W_att.T, axis=-1) + b_att[0]  # [L, N]
    alpha = jax.nn.softmax(alpha, axis=0)
    xjk = jnp.sum(alpha[:, :, None] * xs, axis=0)  # [N, C]
    # APPNP with K=1, alpha=0 reduces to one normalized propagation
    xp = _propagate(xjk, src, dst, norm, n)
    out = xp @ W_lin + b_lin
    return jax.nn.log_softmax(out, axis=1)

if __name__ == "__main__":
    import jax
    _d = setup_inputs()
    print(jax.jit(kernel)(*tuple(_d.values())))

</pallas_src>

<mosaic_0001>
#map = affine_map<(d0, d1) -> (0, 0)>
#map1 = affine_map<(d0, d1) -> (0, 0, 0)>
module attributes {stable_mosaic.version = 14 : i64} {
  func.func @_sc_body(%arg0: i32, %arg1: i32, %arg2: memref<10112x16xf32, #tpu.memory_space<hbm>>, %arg3: memref<2560x128xi32, #tpu.memory_space<hbm>>, %arg4: memref<2560x128xi32, #tpu.memory_space<hbm>>, %arg5: memref<2x10112x16xf32, #tpu.memory_space<hbm>>, %arg6: memref<80x128xi32, #tpu.memory_space<vmem>>, %arg7: memref<80x128xi32, #tpu.memory_space<vmem>>, %arg8: memref<128x16xf32, #tpu.memory_space<vmem>>, %arg9: memref<632x16xf32, #tpu.memory_space<vmem>>, %arg10: memref<10112x16xf32, #tpu.memory_space<vmem_shared>>, %arg11: memref<!tpu.dma_semaphore, #tpu.memory_space<semaphore_mem>>) attributes {dimension_semantics = [#tpu.dimension_semantics<core_parallel>, #tpu.dimension_semantics<subcore_parallel>], iteration_bounds = array<i64: 2, 16>, scalar_prefetch = 0 : i64, scratch_operands = 6 : i64, tpu.core_type = #tpu.core_type<sc_vector_subcore>, window_params = [{transform_indices = #map}, {transform_indices = #map}, {transform_indices = #map}, {transform_indices = #map1}]} {
    %mul3A = arith.constant 16 : i32
    %mul3A_0 = arith.muli %arg0, %mul3A : i32
    %add3A = arith.addi %mul3A_0, %arg1 : i32
    %mul3A_1 = arith.constant 632 : i32
    %mul3A_2 = arith.muli %arg1, %mul3A_1 : i32
    "tpu.region"() ({
      %run_scoped3A = tpu.sem_alloc : memref<!tpu.dma_semaphore, #tpu.memory_space<semaphore_mem>>
      %dma_start3A = arith.constant 0 : i32
      %dma_start3A_13 = tpu.memref_slice %arg2[%mul3A_2, %dma_start3A] : memref<10112x16xf32, #tpu.memory_space<hbm>> -> memref<632x16xf32, #tpu.memory_space<hbm>>
      %dma_start3A_14 = arith.constant 0 : i32
      %dma_start3A_15 = tpu.memref_slice %arg2[%mul3A_2, %dma_start3A_14] : memref<10112x16xf32, #tpu.memory_space<hbm>> -> memref<632x16xf32, #tpu.memory_space<hbm>>
      tpu.enqueue_dma source(%dma_start3A_15 : memref<632x16xf32, #tpu.memory_space<hbm>>) target(%arg9 : memref<632x16xf32, #tpu.memory_space<vmem>>) target_semaphore(%run_scoped3A : memref<!tpu.dma_semaphore, #tpu.memory_space<semaphore_mem>>)
      %dma_wait3A = arith.constant 0 : i32
      %dma_wait3A_16 = tpu.memref_slice %arg2[%mul3A_2, %dma_wait3A] : memref<10112x16xf32, #tpu.memory_space<hbm>> -> memref<632x16xf32, #tpu.memory_space<hbm>>
      %dma_wait3A_17 = arith.constant 0 : i32
      %dma_wait3A_18 = tpu.memref_slice %arg2[%mul3A_2, %dma_wait3A_17] : memref<10112x16xf32, #tpu.memory_space<hbm>> -> memref<632x16xf32, #tpu.memory_space<hbm>>
      tpu.wait_dma2 semaphore(%run_scoped3A : memref<!tpu.dma_semaphore, #tpu.memory_space<semaphore_mem>>) src(%dma_wait3A_18 : memref<632x16xf32, #tpu.memory_space<hbm>>) dst(%arg9 : memref<632x16xf32, #tpu.memory_space<vmem>>)
      tpu.yield
    }) : () -> ()
    "tpu.region"() ({
      %run_scoped3A = tpu.sem_alloc : memref<!tpu.dma_semaphore, #tpu.memory_space<semaphore_mem>>
      %dma_start3A = arith.constant 0 : i32
      %dma_start3A_13 = tpu.memref_slice %arg10[%mul3A_2, %dma_start3A] : memref<10112x16xf32, #tpu.memory_space<vmem_shared>> -> memref<632x16xf32, #tpu.memory_space<vmem_shared>>
      %dma_start3A_14 = arith.constant 0 : i32
      %dma_start3A_15 = tpu.memref_slice %arg10[%mul3A_2, %dma_start3A_14] : memref<10112x16xf32, #tpu.memory_space<vmem_shared>> -> memref<632x16xf32, #tpu.memory_space<vmem_shared>>
      tpu.enqueue_dma source(%arg9 : memref<632x16xf32, #tpu.memory_space<vmem>>) target(%dma_start3A_15 : memref<632x16xf32, #tpu.memory_space<vmem_shared>>) target_semaphore(%run_scoped3A : memref<!tpu.dma_semaphore, #tpu.memory_space<semaphore_mem>>)
      %dma_wait3A = arith.constant 0 : i32
      %dma_wait3A_16 = tpu.memref_slice %arg10[%mul3A_2, %dma_wait3A] : memref<10112x16xf32, #tpu.memory_space<vmem_shared>> -> memref<632x16xf32, #tpu.memory_space<vmem_shared>>
      %dma_wait3A_17 = arith.constant 0 : i32
      %dma_wait3A_18 = tpu.memref_slice %arg10[%mul3A_2, %dma_wait3A_17] : memref<10112x16xf32, #tpu.memory_space<vmem_shared>> -> memref<632x16xf32, #tpu.memory_space<vmem_shared>>
      tpu.wait_dma2 semaphore(%run_scoped3A : memref<!tpu.dma_semaphore, #tpu.memory_space<semaphore_mem>>) src(%arg9 : memref<632x16xf32, #tpu.memory_space<vmem>>) dst(%dma_wait3A_18 : memref<632x16xf32, #tpu.memory_space<vmem_shared>>)
      tpu.yield
    }) : () -> ()
    %mul3A_3 = arith.constant 80 : i32
    %mul3A_4 = arith.muli %add3A, %mul3A_3 : i32
    "tpu.region"() ({
      %run_scoped3A = tpu.sem_alloc : memref<!tpu.dma_semaphore, #tpu.memory_space<semaphore_mem>>
      %dma_start3A = arith.constant 0 : i32
      %dma_start3A_13 = tpu.memref_slice %arg3[%mul3A_4, %dma_start3A] : memref<2560x128xi32, #tpu.memory_space<hbm>> -> memref<80x128xi32, #tpu.memory_space<hbm>>
      %dma_start3A_14 = arith.constant 0 : i32
      %dma_start3A_15 = tpu.memref_slice %arg3[%mul3A_4, %dma_start3A_14] : memref<2560x128xi32, #tpu.memory_space<hbm>> -> memref<80x128xi32, #tpu.memory_space<hbm>>
      tpu.enqueue_dma source(%dma_start3A_15 : memref<80x128xi32, #tpu.memory_space<hbm>>) target(%arg6 : memref<80x128xi32, #tpu.memory_space<vmem>>) target_semaphore(%run_scoped3A : memref<!tpu.dma_semaphore, #tpu.memory_space<semaphore_mem>>)
      %dma_wait3A = arith.constant 0 : i32
      %dma_wait3A_16 = tpu.memref_slice %arg3[%mul3A_4, %dma_wait3A] : memref<2560x128xi32, #tpu.memory_space<hbm>> -> memref<80x128xi32, #tpu.memory_space<hbm>>
      %dma_wait3A_17 = arith.constant 0 : i32
      %dma_wait3A_18 = tpu.memref_slice %arg3[%mul3A_4, %dma_wait3A_17] : memref<2560x128xi32, #tpu.memory_space<hbm>> -> memref<80x128xi32, #tpu.memory_space<hbm>>
      tpu.wait_dma2 semaphore(%run_scoped3A : memref<!tpu.dma_semaphore, #tpu.memory_space<semaphore_mem>>) src(%dma_wait3A_18 : memref<80x128xi32, #tpu.memory_space<hbm>>) dst(%arg6 : memref<80x128xi32, #tpu.memory_space<vmem>>)
      tpu.yield
    }) : () -> ()
    %mul3A_5 = arith.constant 80 : i32
    %mul3A_6 = arith.muli %add3A, %mul3A_5 : i32
    "tpu.region"() ({
      %run_scoped3A = tpu.sem_alloc : memref<!tpu.dma_semaphore, #tpu.memory_space<semaphore_mem>>
      %dma_start3A = arith.constant 0 : i32
      %dma_start3A_13 = tpu.memref_slice %arg4[%mul3A_6, %dma_start3A] : memref<2560x128xi32, #tpu.memory_space<hbm>> -> memref<80x128xi32, #tpu.memory_space<hbm>>
      %dma_start3A_14 = arith.constant 0 : i32
      %dma_start3A_15 = tpu.memref_slice %arg4[%mul3A_6, %dma_start3A_14] : memref<2560x128xi32, #tpu.memory_space<hbm>> -> memref<80x128xi32, #tpu.memory_space<hbm>>
      tpu.enqueue_dma source(%dma_start3A_15 : memref<80x128xi32, #tpu.memory_space<hbm>>) target(%arg7 : memref<80x128xi32, #tpu.memory_space<vmem>>) target_semaphore(%run_scoped3A : memref<!tpu.dma_semaphore, #tpu.memory_space<semaphore_mem>>)
      %dma_wait3A = arith.constant 0 : i32
      %dma_wait3A_16 = tpu.memref_slice %arg4[%mul3A_6, %dma_wait3A] : memref<2560x128xi32, #tpu.memory_space<hbm>> -> memref<80x128xi32, #tpu.memory_space<hbm>>
      %dma_wait3A_17 = arith.constant 0 : i32
      %dma_wait3A_18 = tpu.memref_slice %arg4[%mul3A_6, %dma_wait3A_17] : memref<2560x128xi32, #tpu.memory_space<hbm>> -> memref<80x128xi32, #tpu.memory_space<hbm>>
      tpu.wait_dma2 semaphore(%run_scoped3A : memref<!tpu.dma_semaphore, #tpu.memory_space<semaphore_mem>>) src(%dma_wait3A_18 : memref<80x128xi32, #tpu.memory_space<hbm>>) dst(%arg7 : memref<80x128xi32, #tpu.memory_space<vmem>>)
      tpu.yield
    }) : () -> ()
    %barrier3A = arith.constant 0 : index
    tpu.barrier barrier_id(%barrier3A)
    %scan3A = arith.constant 0 : i32
    %scan3A_7 = arith.constant 0 : i32
    %scan3A_8 = arith.constant 80 : i32
    %scan3A_9 = arith.addi %scan3A_7, %scan3A_8 : i32
    %scan3A_10 = arith.constant 1 : i32
    scf.for %scan3A_13 = %scan3A_7 to %scan3A_9 step %scan3A_10  : i32 {
      %dma_start3A = arith.constant 0 : i32
      %dma_start3A_14 = tpu.memref_slice %arg6[%scan3A_13, %dma_start3A] : memref<80x128xi32, #tpu.memory_space<vmem>> -> memref<1x128xi32, #tpu.memory_space<vmem>>
      %dma_start3A_15 = tpu.memref_squeeze %dma_start3A_14 : memref<1x128xi32, #tpu.memory_space<vmem>> -> memref<128xi32, #tpu.memory_space<vmem>>
      %dma_start3A_16 = arith.constant 0 : i32
      %dma_start3A_17 = arith.constant 0 : i32
      %dma_start3A_18 = tpu.memref_slice %arg2[%dma_start3A_16, %dma_start3A_17] : memref<10112x16xf32, #tpu.memory_space<hbm>> -> memref<10112x16xf32, #tpu.memory_space<hbm>>
      tpu.enqueue_indirect_dma source(%dma_start3A_18 : memref<10112x16xf32, #tpu.memory_space<hbm>>) target(%arg8 : memref<128x16xf32, #tpu.memory_space<vmem>>) offsets(%dma_start3A_15 : memref<128xi32, #tpu.memory_space<vmem>>) semaphore(%arg11 : memref<!tpu.dma_semaphore, #tpu.memory_space<semaphore_mem>>)
      %dma_wait3A = arith.constant 0 : i32
      %dma_wait3A_19 = tpu.memref_slice %arg6[%scan3A_13, %dma_wait3A] : memref<80x128xi32, #tpu.memory_space<vmem>> -> memref<1x128xi32, #tpu.memory_space<vmem>>
      %dma_wait3A_20 = tpu.memref_squeeze %dma_wait3A_19 : memref<1x128xi32, #tpu.memory_space<vmem>> -> memref<128xi32, #tpu.memory_space<vmem>>
      %dma_wait3A_21 = arith.constant 0 : i32
      %dma_wait3A_22 = arith.constant 0 : i32
      %dma_wait3A_23 = tpu.memref_slice %arg2[%dma_wait3A_21, %dma_wait3A_22] : memref<10112x16xf32, #tpu.memory_space<hbm>> -> memref<10112x16xf32, #tpu.memory_space<hbm>>
      tpu.wait_indirect_dma semaphore(%arg11 : memref<!tpu.dma_semaphore, #tpu.memory_space<semaphore_mem>>) src(%dma_wait3A_23 : memref<10112x16xf32, #tpu.memory_space<hbm>>) dst(%arg8 : memref<128x16xf32, #tpu.memory_space<vmem>>)
      "tpu.region"() ({
        %run_scoped3A = tpu.sem_alloc : memref<!tpu.dma_semaphore, #tpu.memory_space<semaphore_mem>>
        %dma_start3A_24 = arith.constant 0 : i32
        %dma_start3A_25 = tpu.memref_slice %arg7[%scan3A_13, %dma_start3A_24] : memref<80x128xi32, #tpu.memory_space<vmem>> -> memref<1x128xi32, #tpu.memory_space<vmem>>
        %dma_start3A_26 = tpu.memref_squeeze %dma_start3A_25 : memref<1x128xi32, #tpu.memory_space<vmem>> -> memref<128xi32, #tpu.memory_space<vmem>>
        %dma_start3A_27 = arith.constant 0 : i32
        %dma_start3A_28 = arith.constant 0 : i32
        %dma_start3A_29 = tpu.memref_slice %arg10[%dma_start3A_27, %dma_start3A_28] : memref<10112x16xf32, #tpu.memory_space<vmem_shared>> -> memref<10112x16xf32, #tpu.memory_space<vmem_shared>>
        tpu.enqueue_indirect_dma source(%arg8 : memref<128x16xf32, #tpu.memory_space<vmem>>) target(%dma_start3A_29 : memref<10112x16xf32, #tpu.memory_space<vmem_shared>>) offsets(%dma_start3A_26 : memref<128xi32, #tpu.memory_space<vmem>>) semaphore(%run_scoped3A : memref<!tpu.dma_semaphore, #tpu.memory_space<semaphore_mem>>) {add = true}
        %dma_wait3A_30 = arith.constant 0 : i32
        %dma_wait3A_31 = tpu.memref_slice %arg7[%scan3A_13, %dma_wait3A_30] : memref<80x128xi32, #tpu.memory_space<vmem>> -> memref<1x128xi32, #tpu.memory_space<vmem>>
        %dma_wait3A_32 = tpu.memref_squeeze %dma_wait3A_31 : memref<1x128xi32, #tpu.memory_space<vmem>> -> memref<128xi32, #tpu.memory_space<vmem>>
        %dma_wait3A_33 = arith.constant 0 : i32
        %dma_wait3A_34 = arith.constant 0 : i32
        %dma_wait3A_35 = tpu.memref_slice %arg10[%dma_wait3A_33, %dma_wait3A_34] : memref<10112x16xf32, #tpu.memory_space<vmem_shared>> -> memref<10112x16xf32, #tpu.memory_space<vmem_shared>>
        tpu.wait_indirect_dma semaphore(%run_scoped3A : memref<!tpu.dma_semaphore, #tpu.memory_space<semaphore_mem>>) src(%arg8 : memref<128x16xf32, #tpu.memory_space<vmem>>) dst(%dma_wait3A_35 : memref<10112x16xf32, #tpu.memory_space<vmem_shared>>)
        tpu.yield
      }) : () -> ()
    }
    %scan3A_11 = arith.constant 80 : i32
    %barrier3A_12 = arith.constant 0 : index
    tpu.barrier barrier_id(%barrier3A_12)
    "tpu.region"() ({
      %run_scoped3A = tpu.sem_alloc : memref<!tpu.dma_semaphore, #tpu.memory_space<semaphore_mem>>
      %dma_start3A = arith.constant 0 : i32
      %dma_start3A_13 = tpu.memref_slice %arg10[%mul3A_2, %dma_start3A] : memref<10112x16xf32, #tpu.memory_space<vmem_shared>> -> memref<632x16xf32, #tpu.memory_space<vmem_shared>>
      %dma_start3A_14 = arith.constant 0 : i32
      %dma_start3A_15 = tpu.memref_slice %arg10[%mul3A_2, %dma_start3A_14] : memref<10112x16xf32, #tpu.memory_space<vmem_shared>> -> memref<632x16xf32, #tpu.memory_space<vmem_shared>>
      tpu.enqueue_dma source(%dma_start3A_15 : memref<632x16xf32, #tpu.memory_space<vmem_shared>>) target(%arg9 : memref<632x16xf32, #tpu.memory_space<vmem>>) target_semaphore(%run_scoped3A : memref<!tpu.dma_semaphore, #tpu.memory_space<semaphore_mem>>)
      %dma_wait3A = arith.constant 0 : i32
      %dma_wait3A_16 = tpu.memref_slice %arg10[%mul3A_2, %dma_wait3A] : memref<10112x16xf32, #tpu.memory_space<vmem_shared>> -> memref<632x16xf32, #tpu.memory_space<vmem_shared>>
      %dma_wait3A_17 = arith.constant 0 : i32
      %dma_wait3A_18 = tpu.memref_slice %arg10[%mul3A_2, %dma_wait3A_17] : memref<10112x16xf32, #tpu.memory_space<vmem_shared>> -> memref<632x16xf32, #tpu.memory_space<vmem_shared>>
      tpu.wait_dma2 semaphore(%run_scoped3A : memref<!tpu.dma_semaphore, #tpu.memory_space<semaphore_mem>>) src(%dma_wait3A_18 : memref<632x16xf32, #tpu.memory_space<vmem_shared>>) dst(%arg9 : memref<632x16xf32, #tpu.memory_space<vmem>>)
      tpu.yield
    }) : () -> ()
    "tpu.region"() ({
      %run_scoped3A = tpu.sem_alloc : memref<!tpu.dma_semaphore, #tpu.memory_space<semaphore_mem>>
      %dma_start3A = arith.constant 0 : i32
      %dma_start3A_13 = tpu.memref_slice %arg5[%arg0, %mul3A_2, %dma_start3A] : memref<2x10112x16xf32, #tpu.memory_space<hbm>> -> memref<1x632x16xf32, #tpu.memory_space<hbm>>
      %dma_start3A_14 = tpu.memref_squeeze %dma_start3A_13 : memref<1x632x16xf32, #tpu.memory_space<hbm>> -> memref<632x16xf32, #tpu.memory_space<hbm>>
      %dma_start3A_15 = arith.constant 0 : i32
      %dma_start3A_16 = tpu.memref_slice %arg5[%arg0, %mul3A_2, %dma_start3A_15] : memref<2x10112x16xf32, #tpu.memory_space<hbm>> -> memref<1x632x16xf32, #tpu.memory_space<hbm>>
      %dma_start3A_17 = tpu.memref_squeeze %dma_start3A_16 : memref<1x632x16xf32, #tpu.memory_space<hbm>> -> memref<632x16xf32, #tpu.memory_space<hbm>>
      tpu.enqueue_dma source(%arg9 : memref<632x16xf32, #tpu.memory_space<vmem>>) target(%dma_start3A_17 : memref<632x16xf32, #tpu.memory_space<hbm>>) target_semaphore(%run_scoped3A : memref<!tpu.dma_semaphore, #tpu.memory_space<semaphore_mem>>)
      %dma_wait3A = arith.constant 0 : i32
      %dma_wait3A_18 = tpu.memref_slice %arg5[%arg0, %mul3A_2, %dma_wait3A] : memref<2x10112x16xf32, #tpu.memory_space<hbm>> -> memref<1x632x16xf32, #tpu.memory_space<hbm>>
      %dma_wait3A_19 = tpu.memref_squeeze %dma_wait3A_18 : memref<1x632x16xf32, #tpu.memory_space<hbm>> -> memref<632x16xf32, #tpu.memory_space<hbm>>
      %dma_wait3A_20 = arith.constant 0 : i32
      %dma_wait3A_21 = tpu.memref_slice %arg5[%arg0, %mul3A_2, %dma_wait3A_20] : memref<2x10112x16xf32, #tpu.memory_space<hbm>> -> memref<1x632x16xf32, #tpu.memory_space<hbm>>
      %dma_wait3A_22 = tpu.memref_squeeze %dma_wait3A_21 : memref<1x632x16xf32, #tpu.memory_space<hbm>> -> memref<632x16xf32, #tpu.memory_space<hbm>>
      tpu.wait_dma2 semaphore(%run_scoped3A : memref<!tpu.dma_semaphore, #tpu.memory_space<semaphore_mem>>) src(%arg9 : memref<632x16xf32, #tpu.memory_space<vmem>>) dst(%dma_wait3A_22 : memref<632x16xf32, #tpu.memory_space<hbm>>)
      tpu.yield
    }) : () -> ()
    return
  }
}

#map = affine_map<(d0, d1) -> (0, 0)>
#map1 = affine_map<(d0, d1) -> (0, 0, 0)>
module attributes {stable_mosaic.version = 14 : i64} {
  func.func @_sc_body(%arg0: i32, %arg1: i32, %arg2: memref<10112x16xf32, #tpu.memory_space<hbm>>, %arg3: memref<2560x128xi32, #tpu.memory_space<hbm>>, %arg4: memref<2560x128xi32, #tpu.memory_space<hbm>>, %arg5: memref<2x10112x16xf32, #tpu.memory_space<hbm>>, %arg6: memref<80x128xi32, #tpu.memory_space<vmem>>, %arg7: memref<80x128xi32, #tpu.memory_space<vmem>>, %arg8: memref<128x16xf32, #tpu.memory_space<vmem>>, %arg9: memref<632x16xf32, #tpu.memory_space<vmem>>, %arg10: memref<10112x16xf32, #tpu.memory_space<vmem_shared>>, %arg11: memref<!tpu.dma_semaphore, #tpu.memory_space<semaphore_mem>>) attributes {dimension_semantics = [#tpu.dimension_semantics<core_parallel>, #tpu.dimension_semantics<subcore_parallel>], iteration_bounds = array<i64: 2, 16>, scalar_prefetch = 0 : i64, scratch_operands = 6 : i64, tpu.core_type = #tpu.core_type<sc_vector_subcore>, window_params = [{transform_indices = #map}, {transform_indices = #map}, {transform_indices = #map}, {transform_indices = #map1}]} {
    %mul3A = arith.constant 16 : i32
    %mul3A_0 = arith.muli %arg0, %mul3A : i32
    %add3A = arith.addi %mul3A_0, %arg1 : i32
    %mul3A_1 = arith.constant 632 : i32
    %mul3A_2 = arith.muli %arg1, %mul3A_1 : i32
    "tpu.region"() ({
      %run_scoped3A = tpu.sem_alloc : memref<!tpu.dma_semaphore, #tpu.memory_space<semaphore_mem>>
      %dma_start3A = arith.constant 0 : i32
      %dma_start3A_13 = tpu.memref_slice %arg2[%mul3A_2, %dma_start3A] : memref<10112x16xf32, #tpu.memory_space<hbm>> -> memref<632x16xf32, #tpu.memory_space<hbm>>
      %dma_start3A_14 = arith.constant 0 : i32
      %dma_start3A_15 = tpu.memref_slice %arg2[%mul3A_2, %dma_start3A_14] : memref<10112x16xf32, #tpu.memory_space<hbm>> -> memref<632x16xf32, #tpu.memory_space<hbm>>
      tpu.enqueue_dma source(%dma_start3A_15 : memref<632x16xf32, #tpu.memory_space<hbm>>) target(%arg9 : memref<632x16xf32, #tpu.memory_space<vmem>>) target_semaphore(%run_scoped3A : memref<!tpu.dma_semaphore, #tpu.memory_space<semaphore_mem>>)
      %dma_wait3A = arith.constant 0 : i32
      %dma_wait3A_16 = tpu.memref_slice %arg2[%mul3A_2, %dma_wait3A] : memref<10112x16xf32, #tpu.memory_space<hbm>> -> memref<632x16xf32, #tpu.memory_space<hbm>>
      %dma_wait3A_17 = arith.constant 0 : i32
      %dma_wait3A_18 = tpu.memref_slice %arg2[%mul3A_2, %dma_wait3A_17] : memref<10112x16xf32, #tpu.memory_space<hbm>> -> memref<632x16xf32, #tpu.memory_space<hbm>>
      tpu.wait_dma2 semaphore(%run_scoped3A : memref<!tpu.dma_semaphore, #tpu.memory_space<semaphore_mem>>) src(%dma_wait3A_18 : memref<632x16xf32, #tpu.memory_space<hbm>>) dst(%arg9 : memref<632x16xf32, #tpu.memory_space<vmem>>)
      tpu.yield
    }) : () -> ()
    "tpu.region"() ({
      %run_scoped3A = tpu.sem_alloc : memref<!tpu.dma_semaphore, #tpu.memory_space<semaphore_mem>>
      %dma_start3A = arith.constant 0 : i32
      %dma_start3A_13 = tpu.memref_slice %arg10[%mul3A_2, %dma_start3A] : memref<10112x16xf32, #tpu.memory_space<vmem_shared>> -> memref<632x16xf32, #tpu.memory_space<vmem_shared>>
      %dma_start3A_14 = arith.constant 0 : i32
      %dma_start3A_15 = tpu.memref_slice %arg10[%mul3A_2, %dma_start3A_14] : memref<10112x16xf32, #tpu.memory_space<vmem_shared>> -> memref<632x16xf32, #tpu.memory_space<vmem_shared>>
      tpu.enqueue_dma source(%arg9 : memref<632x16xf32, #tpu.memory_space<vmem>>) target(%dma_start3A_15 : memref<632x16xf32, #tpu.memory_space<vmem_shared>>) target_semaphore(%run_scoped3A : memref<!tpu.dma_semaphore, #tpu.memory_space<semaphore_mem>>)
      %dma_wait3A = arith.constant 0 : i32
      %dma_wait3A_16 = tpu.memref_slice %arg10[%mul3A_2, %dma_wait3A] : memref<10112x16xf32, #tpu.memory_space<vmem_shared>> -> memref<632x16xf32, #tpu.memory_space<vmem_shared>>
      %dma_wait3A_17 = arith.constant 0 : i32
      %dma_wait3A_18 = tpu.memref_slice %arg10[%mul3A_2, %dma_wait3A_17] : memref<10112x16xf32, #tpu.memory_space<vmem_shared>> -> memref<632x16xf32, #tpu.memory_space<vmem_shared>>
      tpu.wait_dma2 semaphore(%run_scoped3A : memref<!tpu.dma_semaphore, #tpu.memory_space<semaphore_mem>>) src(%arg9 : memref<632x16xf32, #tpu.memory_space<vmem>>) dst(%dma_wait3A_18 : memref<632x16xf32, #tpu.memory_space<vmem_shared>>)
      tpu.yield
    }) : () -> ()
    %mul3A_3 = arith.constant 80 : i32
    %mul3A_4 = arith.muli %add3A, %mul3A_3 : i32
    "tpu.region"() ({
      %run_scoped3A = tpu.sem_alloc : memref<!tpu.dma_semaphore, #tpu.memory_space<semaphore_mem>>
      %dma_start3A = arith.constant 0 : i32
      %dma_start3A_13 = tpu.memref_slice %arg3[%mul3A_4, %dma_start3A] : memref<2560x128xi32, #tpu.memory_space<hbm>> -> memref<80x128xi32, #tpu.memory_space<hbm>>
      %dma_start3A_14 = arith.constant 0 : i32
      %dma_start3A_15 = tpu.memref_slice %arg3[%mul3A_4, %dma_start3A_14] : memref<2560x128xi32, #tpu.memory_space<hbm>> -> memref<80x128xi32, #tpu.memory_space<hbm>>
      tpu.enqueue_dma source(%dma_start3A_15 : memref<80x128xi32, #tpu.memory_space<hbm>>) target(%arg6 : memref<80x128xi32, #tpu.memory_space<vmem>>) target_semaphore(%run_scoped3A : memref<!tpu.dma_semaphore, #tpu.memory_space<semaphore_mem>>)
      %dma_wait3A = arith.constant 0 : i32
      %dma_wait3A_16 = tpu.memref_slice %arg3[%mul3A_4, %dma_wait3A] : memref<2560x128xi32, #tpu.memory_space<hbm>> -> memref<80x128xi32, #tpu.memory_space<hbm>>
      %dma_wait3A_17 = arith.constant 0 : i32
      %dma_wait3A_18 = tpu.memref_slice %arg3[%mul3A_4, %dma_wait3A_17] : memref<2560x128xi32, #tpu.memory_space<hbm>> -> memref<80x128xi32, #tpu.memory_space<hbm>>
      tpu.wait_dma2 semaphore(%run_scoped3A : memref<!tpu.dma_semaphore, #tpu.memory_space<semaphore_mem>>) src(%dma_wait3A_18 : memref<80x128xi32, #tpu.memory_space<hbm>>) dst(%arg6 : memref<80x128xi32, #tpu.memory_space<vmem>>)
      tpu.yield
    }) : () -> ()
    %mul3A_5 = arith.constant 80 : i32
    %mul3A_6 = arith.muli %add3A, %mul3A_5 : i32
    "tpu.region"() ({
      %run_scoped3A = tpu.sem_alloc : memref<!tpu.dma_semaphore, #tpu.memory_space<semaphore_mem>>
      %dma_start3A = arith.constant 0 : i32
      %dma_start3A_13 = tpu.memref_slice %arg4[%mul3A_6, %dma_start3A] : memref<2560x128xi32, #tpu.memory_space<hbm>> -> memref<80x128xi32, #tpu.memory_space<hbm>>
      %dma_start3A_14 = arith.constant 0 : i32
      %dma_start3A_15 = tpu.memref_slice %arg4[%mul3A_6, %dma_start3A_14] : memref<2560x128xi32, #tpu.memory_space<hbm>> -> memref<80x128xi32, #tpu.memory_space<hbm>>
      tpu.enqueue_dma source(%dma_start3A_15 : memref<80x128xi32, #tpu.memory_space<hbm>>) target(%arg7 : memref<80x128xi32, #tpu.memory_space<vmem>>) target_semaphore(%run_scoped3A : memref<!tpu.dma_semaphore, #tpu.memory_space<semaphore_mem>>)
      %dma_wait3A = arith.constant 0 : i32
      %dma_wait3A_16 = tpu.memref_slice %arg4[%mul3A_6, %dma_wait3A] : memref<2560x128xi32, #tpu.memory_space<hbm>> -> memref<80x128xi32, #tpu.memory_space<hbm>>
      %dma_wait3A_17 = arith.constant 0 : i32
      %dma_wait3A_18 = tpu.memref_slice %arg4[%mul3A_6, %dma_wait3A_17] : memref<2560x128xi32, #tpu.memory_space<hbm>> -> memref<80x128xi32, #tpu.memory_space<hbm>>
      tpu.wait_dma2 semaphore(%run_scoped3A : memref<!tpu.dma_semaphore, #tpu.memory_space<semaphore_mem>>) src(%dma_wait3A_18 : memref<80x128xi32, #tpu.memory_space<hbm>>) dst(%arg7 : memref<80x128xi32, #tpu.memory_space<vmem>>)
      tpu.yield
    }) : () -> ()
    %barrier3A = arith.constant 0 : index
    tpu.barrier barrier_id(%barrier3A)
    %scan3A = arith.constant 0 : i32
    %scan3A_7 = arith.constant 0 : i32
    %scan3A_8 = arith.constant 80 : i32
    %scan3A_9 = arith.addi %scan3A_7, %scan3A_8 : i32
    %scan3A_10 = arith.constant 1 : i32
    scf.for %scan3A_13 = %scan3A_7 to %scan3A_9 step %scan3A_10  : i32 {
      %dma_start3A = arith.constant 0 : i32
      %dma_start3A_14 = tpu.memref_slice %arg6[%scan3A_13, %dma_start3A] : memref<80x128xi32, #tpu.memory_space<vmem>> -> memref<1x128xi32, #tpu.memory_space<vmem>>
      %dma_start3A_15 = tpu.memref_squeeze %dma_start3A_14 : memref<1x128xi32, #tpu.memory_space<vmem>> -> memref<128xi32, #tpu.memory_space<vmem>>
      %dma_start3A_16 = arith.constant 0 : i32
      %dma_start3A_17 = arith.constant 0 : i32
      %dma_start3A_18 = tpu.memref_slice %arg2[%dma_start3A_16, %dma_start3A_17] : memref<10112x16xf32, #tpu.memory_space<hbm>> -> memref<10112x16xf32, #tpu.memory_space<hbm>>
      tpu.enqueue_indirect_dma source(%dma_start3A_18 : memref<10112x16xf32, #tpu.memory_space<hbm>>) target(%arg8 : memref<128x16xf32, #tpu.memory_space<vmem>>) offsets(%dma_start3A_15 : memref<128xi32, #tpu.memory_space<vmem>>) semaphore(%arg11 : memref<!tpu.dma_semaphore, #tpu.memory_space<semaphore_mem>>)
      %dma_wait3A = arith.constant 0 : i32
      %dma_wait3A_19 = tpu.memref_slice %arg6[%scan3A_13, %dma_wait3A] : memref<80x128xi32, #tpu.memory_space<vmem>> -> memref<1x128xi32, #tpu.memory_space<vmem>>
      %dma_wait3A_20 = tpu.memref_squeeze %dma_wait3A_19 : memref<1x128xi32, #tpu.memory_space<vmem>> -> memref<128xi32, #tpu.memory_space<vmem>>
      %dma_wait3A_21 = arith.constant 0 : i32
      %dma_wait3A_22 = arith.constant 0 : i32
      %dma_wait3A_23 = tpu.memref_slice %arg2[%dma_wait3A_21, %dma_wait3A_22] : memref<10112x16xf32, #tpu.memory_space<hbm>> -> memref<10112x16xf32, #tpu.memory_space<hbm>>
      tpu.wait_indirect_dma semaphore(%arg11 : memref<!tpu.dma_semaphore, #tpu.memory_space<semaphore_mem>>) src(%dma_wait3A_23 : memref<10112x16xf32, #tpu.memory_space<hbm>>) dst(%arg8 : memref<128x16xf32, #tpu.memory_space<vmem>>)
      "tpu.region"() ({
        %run_scoped3A = tpu.sem_alloc : memref<!tpu.dma_semaphore, #tpu.memory_space<semaphore_mem>>
        %dma_start3A_24 = arith.constant 0 : i32
        %dma_start3A_25 = tpu.memref_slice %arg7[%scan3A_13, %dma_start3A_24] : memref<80x128xi32, #tpu.memory_space<vmem>> -> memref<1x128xi32, #tpu.memory_space<vmem>>
        %dma_start3A_26 = tpu.memref_squeeze %dma_start3A_25 : memref<1x128xi32, #tpu.memory_space<vmem>> -> memref<128xi32, #tpu.memory_space<vmem>>
        %dma_start3A_27 = arith.constant 0 : i32
        %dma_start3A_28 = arith.constant 0 : i32
        %dma_start3A_29 = tpu.memref_slice %arg10[%dma_start3A_27, %dma_start3A_28] : memref<10112x16xf32, #tpu.memory_space<vmem_shared>> -> memref<10112x16xf32, #tpu.memory_space<vmem_shared>>
        tpu.enqueue_indirect_dma source(%arg8 : memref<128x16xf32, #tpu.memory_space<vmem>>) target(%dma_start3A_29 : memref<10112x16xf32, #tpu.memory_space<vmem_shared>>) offsets(%dma_start3A_26 : memref<128xi32, #tpu.memory_space<vmem>>) semaphore(%run_scoped3A : memref<!tpu.dma_semaphore, #tpu.memory_space<semaphore_mem>>) {add = true}
        %dma_wait3A_30 = arith.constant 0 : i32
        %dma_wait3A_31 = tpu.memref_slice %arg7[%scan3A_13, %dma_wait3A_30] : memref<80x128xi32, #tpu.memory_space<vmem>> -> memref<1x128xi32, #tpu.memory_space<vmem>>
        %dma_wait3A_32 = tpu.memref_squeeze %dma_wait3A_31 : memref<1x128xi32, #tpu.memory_space<vmem>> -> memref<128xi32, #tpu.memory_space<vmem>>
        %dma_wait3A_33 = arith.constant 0 : i32
        %dma_wait3A_34 = arith.constant 0 : i32
        %dma_wait3A_35 = tpu.memref_slice %arg10[%dma_wait3A_33, %dma_wait3A_34] : memref<10112x16xf32, #tpu.memory_space<vmem_shared>> -> memref<10112x16xf32, #tpu.memory_space<vmem_shared>>
        tpu.wait_indirect_dma semaphore(%run_scoped3A : memref<!tpu.dma_semaphore, #tpu.memory_space<semaphore_mem>>) src(%arg8 : memref<128x16xf32, #tpu.memory_space<vmem>>) dst(%dma_wait3A_35 : memref<10112x16xf32, #tpu.memory_space<vmem_shared>>)
        tpu.yield
      }) : () -> ()
    }
    %scan3A_11 = arith.constant 80 : i32
    %barrier3A_12 = arith.constant 0 : index
    tpu.barrier barrier_id(%barrier3A_12)
    "tpu.region"() ({
      %run_scoped3A = tpu.sem_alloc : memref<!tpu.dma_semaphore, #tpu.memory_space<semaphore_mem>>
      %dma_start3A = arith.constant 0 : i32
      %dma_start3A_13 = tpu.memref_slice %arg10[%mul3A_2, %dma_start3A] : memref<10112x16xf32, #tpu.memory_space<vmem_shared>> -> memref<632x16xf32, #tpu.memory_space<vmem_shared>>
      %dma_start3A_14 = arith.constant 0 : i32
      %dma_start3A_15 = tpu.memref_slice %arg10[%mul3A_2, %dma_start3A_14] : memref<10112x16xf32, #tpu.memory_space<vmem_shared>> -> memref<632x16xf32, #tpu.memory_space<vmem_shared>>
      tpu.enqueue_dma source(%dma_start3A_15 : memref<632x16xf32, #tpu.memory_space<vmem_shared>>) target(%arg9 : memref<632x16xf32, #tpu.memory_space<vmem>>) target_semaphore(%run_scoped3A : memref<!tpu.dma_semaphore, #tpu.memory_space<semaphore_mem>>)
      %dma_wait3A = arith.constant 0 : i32
      %dma_wait3A_16 = tpu.memref_slice %arg10[%mul3A_2, %dma_wait3A] : memref<10112x16xf32, #tpu.memory_space<vmem_shared>> -> memref<632x16xf32, #tpu.memory_space<vmem_shared>>
      %dma_wait3A_17 = arith.constant 0 : i32
      %dma_wait3A_18 = tpu.memref_slice %arg10[%mul3A_2, %dma_wait3A_17] : memref<10112x16xf32, #tpu.memory_space<vmem_shared>> -> memref<632x16xf32, #tpu.memory_space<vmem_shared>>
      tpu.wait_dma2 semaphore(%run_scoped3A : memref<!tpu.dma_semaphore, #tpu.memory_space<semaphore_mem>>) src(%dma_wait3A_18 : memref<632x16xf32, #tpu.memory_space<vmem_shared>>) dst(%arg9 : memref<632x16xf32, #tpu.memory_space<vmem>>)
      tpu.yield
    }) : () -> ()
    "tpu.region"() ({
      %run_scoped3A = tpu.sem_alloc : memref<!tpu.dma_semaphore, #tpu.memory_space<semaphore_mem>>
      %dma_start3A = arith.constant 0 : i32
      %dma_start3A_13 = tpu.memref_slice %arg5[%arg0, %mul3A_2, %dma_start3A] : memref<2x10112x16xf32, #tpu.memory_space<hbm>> -> memref<1x632x16xf32, #tpu.memory_space<hbm>>
      %dma_start3A_14 = tpu.memref_squeeze %dma_start3A_13 : memref<1x632x16xf32, #tpu.memory_space<hbm>> -> memref<632x16xf32, #tpu.memory_space<hbm>>
      %dma_start3A_15 = arith.constant 0 : i32
      %dma_start3A_16 = tpu.memref_slice %arg5[%arg0, %mul3A_2, %dma_start3A_15] : memref<2x10112x16xf32, #tpu.memory_space<hbm>> -> memref<1x632x16xf32, #tpu.memory_space<hbm>>
      %dma_start3A_17 = tpu.memref_squeeze %dma_start3A_16 : memref<1x632x16xf32, #tpu.memory_space<hbm>> -> memref<632x16xf32, #tpu.memory_space<hbm>>
      tpu.enqueue_dma source(%arg9 : memref<632x16xf32, #tpu.memory_space<vmem>>) target(%dma_start3A_17 : memref<632x16xf32, #tpu.memory_space<hbm>>) target_semaphore(%run_scoped3A : memref<!tpu.dma_semaphore, #tpu.memory_space<semaphore_mem>>)
      %dma_wait3A = arith.constant 0 : i32
      %dma_wait3A_18 = tpu.memref_slice %arg5[%arg0, %mul3A_2, %dma_wait3A] : memref<2x10112x16xf32, #tpu.memory_space<hbm>> -> memref<1x632x16xf32, #tpu.memory_space<hbm>>
      %dma_wait3A_19 = tpu.memref_squeeze %dma_wait3A_18 : memref<1x632x16xf32, #tpu.memory_space<hbm>> -> memref<632x16xf32, #tpu.memory_space<hbm>>
      %dma_wait3A_20 = arith.constant 0 : i32
      %dma_wait3A_21 = tpu.memref_slice %arg5[%arg0, %mul3A_2, %dma_wait3A_20] : memref<2x10112x16xf32, #tpu.memory_space<hbm>> -> memref<1x632x16xf32, #tpu.memory_space<hbm>>
      %dma_wait3A_22 = tpu.memref_squeeze %dma_wait3A_21 : memref<1x632x16xf32, #tpu.memory_space<hbm>> -> memref<632x16xf32, #tpu.memory_space<hbm>>
      tpu.wait_dma2 semaphore(%run_scoped3A : memref<!tpu.dma_semaphore, #tpu.memory_space<semaphore_mem>>) src(%arg9 : memref<632x16xf32, #tpu.memory_space<vmem>>) dst(%dma_wait3A_22 : memref<632x16xf32, #tpu.memory_space<hbm>>)
      tpu.yield
    }) : () -> ()
    return
  }
}

#map = affine_map<(d0, d1) -> (0, 0)>
#map1 = affine_map<(d0, d1) -> (0, 0, 0)>
module attributes {stable_mosaic.version = 14 : i64} {
  func.func @_sc_body(%arg0: i32, %arg1: i32, %arg2: memref<10112x16xf32, #tpu.memory_space<hbm>>, %arg3: memref<2560x128xi32, #tpu.memory_space<hbm>>, %arg4: memref<2560x128xi32, #tpu.memory_space<hbm>>, %arg5: memref<2x10112x16xf32, #tpu.memory_space<hbm>>, %arg6: memref<80x128xi32, #tpu.memory_space<vmem>>, %arg7: memref<80x128xi32, #tpu.memory_space<vmem>>, %arg8: memref<128x16xf32, #tpu.memory_space<vmem>>, %arg9: memref<632x16xf32, #tpu.memory_space<vmem>>, %arg10: memref<10112x16xf32, #tpu.memory_space<vmem_shared>>, %arg11: memref<!tpu.dma_semaphore, #tpu.memory_space<semaphore_mem>>) attributes {dimension_semantics = [#tpu.dimension_semantics<core_parallel>, #tpu.dimension_semantics<subcore_parallel>], iteration_bounds = array<i64: 2, 16>, scalar_prefetch = 0 : i64, scratch_operands = 6 : i64, tpu.core_type = #tpu.core_type<sc_vector_subcore>, window_params = [{transform_indices = #map}, {transform_indices = #map}, {transform_indices = #map}, {transform_indices = #map1}]} {
    %mul3A = arith.constant 16 : i32
    %mul3A_0 = arith.muli %arg0, %mul3A : i32
    %add3A = arith.addi %mul3A_0, %arg1 : i32
    %mul3A_1 = arith.constant 632 : i32
    %mul3A_2 = arith.muli %arg1, %mul3A_1 : i32
    "tpu.region"() ({
      %run_scoped3A = tpu.sem_alloc : memref<!tpu.dma_semaphore, #tpu.memory_space<semaphore_mem>>
      %dma_start3A = arith.constant 0 : i32
      %dma_start3A_13 = tpu.memref_slice %arg2[%mul3A_2, %dma_start3A] : memref<10112x16xf32, #tpu.memory_space<hbm>> -> memref<632x16xf32, #tpu.memory_space<hbm>>
      %dma_start3A_14 = arith.constant 0 : i32
      %dma_start3A_15 = tpu.memref_slice %arg2[%mul3A_2, %dma_start3A_14] : memref<10112x16xf32, #tpu.memory_space<hbm>> -> memref<632x16xf32, #tpu.memory_space<hbm>>
      tpu.enqueue_dma source(%dma_start3A_15 : memref<632x16xf32, #tpu.memory_space<hbm>>) target(%arg9 : memref<632x16xf32, #tpu.memory_space<vmem>>) target_semaphore(%run_scoped3A : memref<!tpu.dma_semaphore, #tpu.memory_space<semaphore_mem>>)
      %dma_wait3A = arith.constant 0 : i32
      %dma_wait3A_16 = tpu.memref_slice %arg2[%mul3A_2, %dma_wait3A] : memref<10112x16xf32, #tpu.memory_space<hbm>> -> memref<632x16xf32, #tpu.memory_space<hbm>>
      %dma_wait3A_17 = arith.constant 0 : i32
      %dma_wait3A_18 = tpu.memref_slice %arg2[%mul3A_2, %dma_wait3A_17] : memref<10112x16xf32, #tpu.memory_space<hbm>> -> memref<632x16xf32, #tpu.memory_space<hbm>>
      tpu.wait_dma2 semaphore(%run_scoped3A : memref<!tpu.dma_semaphore, #tpu.memory_space<semaphore_mem>>) src(%dma_wait3A_18 : memref<632x16xf32, #tpu.memory_space<hbm>>) dst(%arg9 : memref<632x16xf32, #tpu.memory_space<vmem>>)
      tpu.yield
    }) : () -> ()
    "tpu.region"() ({
      %run_scoped3A = tpu.sem_alloc : memref<!tpu.dma_semaphore, #tpu.memory_space<semaphore_mem>>
      %dma_start3A = arith.constant 0 : i32
      %dma_start3A_13 = tpu.memref_slice %arg10[%mul3A_2, %dma_start3A] : memref<10112x16xf32, #tpu.memory_space<vmem_shared>> -> memref<632x16xf32, #tpu.memory_space<vmem_shared>>
      %dma_start3A_14 = arith.constant 0 : i32
      %dma_start3A_15 = tpu.memref_slice %arg10[%mul3A_2, %dma_start3A_14] : memref<10112x16xf32, #tpu.memory_space<vmem_shared>> -> memref<632x16xf32, #tpu.memory_space<vmem_shared>>
      tpu.enqueue_dma source(%arg9 : memref<632x16xf32, #tpu.memory_space<vmem>>) target(%dma_start3A_15 : memref<632x16xf32, #tpu.memory_space<vmem_shared>>) target_semaphore(%run_scoped3A : memref<!tpu.dma_semaphore, #tpu.memory_space<semaphore_mem>>)
      %dma_wait3A = arith.constant 0 : i32
      %dma_wait3A_16 = tpu.memref_slice %arg10[%mul3A_2, %dma_wait3A] : memref<10112x16xf32, #tpu.memory_space<vmem_shared>> -> memref<632x16xf32, #tpu.memory_space<vmem_shared>>
      %dma_wait3A_17 = arith.constant 0 : i32
      %dma_wait3A_18 = tpu.memref_slice %arg10[%mul3A_2, %dma_wait3A_17] : memref<10112x16xf32, #tpu.memory_space<vmem_shared>> -> memref<632x16xf32, #tpu.memory_space<vmem_shared>>
      tpu.wait_dma2 semaphore(%run_scoped3A : memref<!tpu.dma_semaphore, #tpu.memory_space<semaphore_mem>>) src(%arg9 : memref<632x16xf32, #tpu.memory_space<vmem>>) dst(%dma_wait3A_18 : memref<632x16xf32, #tpu.memory_space<vmem_shared>>)
      tpu.yield
    }) : () -> ()
    %mul3A_3 = arith.constant 80 : i32
    %mul3A_4 = arith.muli %add3A, %mul3A_3 : i32
    "tpu.region"() ({
      %run_scoped3A = tpu.sem_alloc : memref<!tpu.dma_semaphore, #tpu.memory_space<semaphore_mem>>
      %dma_start3A = arith.constant 0 : i32
      %dma_start3A_13 = tpu.memref_slice %arg3[%mul3A_4, %dma_start3A] : memref<2560x128xi32, #tpu.memory_space<hbm>> -> memref<80x128xi32, #tpu.memory_space<hbm>>
      %dma_start3A_14 = arith.constant 0 : i32
      %dma_start3A_15 = tpu.memref_slice %arg3[%mul3A_4, %dma_start3A_14] : memref<2560x128xi32, #tpu.memory_space<hbm>> -> memref<80x128xi32, #tpu.memory_space<hbm>>
      tpu.enqueue_dma source(%dma_start3A_15 : memref<80x128xi32, #tpu.memory_space<hbm>>) target(%arg6 : memref<80x128xi32, #tpu.memory_space<vmem>>) target_semaphore(%run_scoped3A : memref<!tpu.dma_semaphore, #tpu.memory_space<semaphore_mem>>)
      %dma_wait3A = arith.constant 0 : i32
      %dma_wait3A_16 = tpu.memref_slice %arg3[%mul3A_4, %dma_wait3A] : memref<2560x128xi32, #tpu.memory_space<hbm>> -> memref<80x128xi32, #tpu.memory_space<hbm>>
      %dma_wait3A_17 = arith.constant 0 : i32
      %dma_wait3A_18 = tpu.memref_slice %arg3[%mul3A_4, %dma_wait3A_17] : memref<2560x128xi32, #tpu.memory_space<hbm>> -> memref<80x128xi32, #tpu.memory_space<hbm>>
      tpu.wait_dma2 semaphore(%run_scoped3A : memref<!tpu.dma_semaphore, #tpu.memory_space<semaphore_mem>>) src(%dma_wait3A_18 : memref<80x128xi32, #tpu.memory_space<hbm>>) dst(%arg6 : memref<80x128xi32, #tpu.memory_space<vmem>>)
      tpu.yield
    }) : () -> ()
    %mul3A_5 = arith.constant 80 : i32
    %mul3A_6 = arith.muli %add3A, %mul3A_5 : i32
    "tpu.region"() ({
      %run_scoped3A = tpu.sem_alloc : memref<!tpu.dma_semaphore, #tpu.memory_space<semaphore_mem>>
      %dma_start3A = arith.constant 0 : i32
      %dma_start3A_13 = tpu.memref_slice %arg4[%mul3A_6, %dma_start3A] : memref<2560x128xi32, #tpu.memory_space<hbm>> -> memref<80x128xi32, #tpu.memory_space<hbm>>
      %dma_start3A_14 = arith.constant 0 : i32
      %dma_start3A_15 = tpu.memref_slice %arg4[%mul3A_6, %dma_start3A_14] : memref<2560x128xi32, #tpu.memory_space<hbm>> -> memref<80x128xi32, #tpu.memory_space<hbm>>
      tpu.enqueue_dma source(%dma_start3A_15 : memref<80x128xi32, #tpu.memory_space<hbm>>) target(%arg7 : memref<80x128xi32, #tpu.memory_space<vmem>>) target_semaphore(%run_scoped3A : memref<!tpu.dma_semaphore, #tpu.memory_space<semaphore_mem>>)
      %dma_wait3A = arith.constant 0 : i32
      %dma_wait3A_16 = tpu.memref_slice %arg4[%mul3A_6, %dma_wait3A] : memref<2560x128xi32, #tpu.memory_space<hbm>> -> memref<80x128xi32, #tpu.memory_space<hbm>>
      %dma_wait3A_17 = arith.constant 0 : i32
      %dma_wait3A_18 = tpu.memref_slice %arg4[%mul3A_6, %dma_wait3A_17] : memref<2560x128xi32, #tpu.memory_space<hbm>> -> memref<80x128xi32, #tpu.memory_space<hbm>>
      tpu.wait_dma2 semaphore(%run_scoped3A : memref<!tpu.dma_semaphore, #tpu.memory_space<semaphore_mem>>) src(%dma_wait3A_18 : memref<80x128xi32, #tpu.memory_space<hbm>>) dst(%arg7 : memref<80x128xi32, #tpu.memory_space<vmem>>)
      tpu.yield
    }) : () -> ()
    %barrier3A = arith.constant 0 : index
    tpu.barrier barrier_id(%barrier3A)
    %scan3A = arith.constant 0 : i32
    %scan3A_7 = arith.constant 0 : i32
    %scan3A_8 = arith.constant 80 : i32
    %scan3A_9 = arith.addi %scan3A_7, %scan3A_8 : i32
    %scan3A_10 = arith.constant 1 : i32
    scf.for %scan3A_13 = %scan3A_7 to %scan3A_9 step %scan3A_10  : i32 {
      %dma_start3A = arith.constant 0 : i32
      %dma_start3A_14 = tpu.memref_slice %arg6[%scan3A_13, %dma_start3A] : memref<80x128xi32, #tpu.memory_space<vmem>> -> memref<1x128xi32, #tpu.memory_space<vmem>>
      %dma_start3A_15 = tpu.memref_squeeze %dma_start3A_14 : memref<1x128xi32, #tpu.memory_space<vmem>> -> memref<128xi32, #tpu.memory_space<vmem>>
      %dma_start3A_16 = arith.constant 0 : i32
      %dma_start3A_17 = arith.constant 0 : i32
      %dma_start3A_18 = tpu.memref_slice %arg2[%dma_start3A_16, %dma_start3A_17] : memref<10112x16xf32, #tpu.memory_space<hbm>> -> memref<10112x16xf32, #tpu.memory_space<hbm>>
      tpu.enqueue_indirect_dma source(%dma_start3A_18 : memref<10112x16xf32, #tpu.memory_space<hbm>>) target(%arg8 : memref<128x16xf32, #tpu.memory_space<vmem>>) offsets(%dma_start3A_15 : memref<128xi32, #tpu.memory_space<vmem>>) semaphore(%arg11 : memref<!tpu.dma_semaphore, #tpu.memory_space<semaphore_mem>>)
      %dma_wait3A = arith.constant 0 : i32
      %dma_wait3A_19 = tpu.memref_slice %arg6[%scan3A_13, %dma_wait3A] : memref<80x128xi32, #tpu.memory_space<vmem>> -> memref<1x128xi32, #tpu.memory_space<vmem>>
      %dma_wait3A_20 = tpu.memref_squeeze %dma_wait3A_19 : memref<1x128xi32, #tpu.memory_space<vmem>> -> memref<128xi32, #tpu.memory_space<vmem>>
      %dma_wait3A_21 = arith.constant 0 : i32
      %dma_wait3A_22 = arith.constant 0 : i32
      %dma_wait3A_23 = tpu.memref_slice %arg2[%dma_wait3A_21, %dma_wait3A_22] : memref<10112x16xf32, #tpu.memory_space<hbm>> -> memref<10112x16xf32, #tpu.memory_space<hbm>>
      tpu.wait_indirect_dma semaphore(%arg11 : memref<!tpu.dma_semaphore, #tpu.memory_space<semaphore_mem>>) src(%dma_wait3A_23 : memref<10112x16xf32, #tpu.memory_space<hbm>>) dst(%arg8 : memref<128x16xf32, #tpu.memory_space<vmem>>)
      "tpu.region"() ({
        %run_scoped3A = tpu.sem_alloc : memref<!tpu.dma_semaphore, #tpu.memory_space<semaphore_mem>>
        %dma_start3A_24 = arith.constant 0 : i32
        %dma_start3A_25 = tpu.memref_slice %arg7[%scan3A_13, %dma_start3A_24] : memref<80x128xi32, #tpu.memory_space<vmem>> -> memref<1x128xi32, #tpu.memory_space<vmem>>
        %dma_start3A_26 = tpu.memref_squeeze %dma_start3A_25 : memref<1x128xi32, #tpu.memory_space<vmem>> -> memref<128xi32, #tpu.memory_space<vmem>>
        %dma_start3A_27 = arith.constant 0 : i32
        %dma_start3A_28 = arith.constant 0 : i32
        %dma_start3A_29 = tpu.memref_slice %arg10[%dma_start3A_27, %dma_start3A_28] : memref<10112x16xf32, #tpu.memory_space<vmem_shared>> -> memref<10112x16xf32, #tpu.memory_space<vmem_shared>>
        tpu.enqueue_indirect_dma source(%arg8 : memref<128x16xf32, #tpu.memory_space<vmem>>) target(%dma_start3A_29 : memref<10112x16xf32, #tpu.memory_space<vmem_shared>>) offsets(%dma_start3A_26 : memref<128xi32, #tpu.memory_space<vmem>>) semaphore(%run_scoped3A : memref<!tpu.dma_semaphore, #tpu.memory_space<semaphore_mem>>) {add = true}
        %dma_wait3A_30 = arith.constant 0 : i32
        %dma_wait3A_31 = tpu.memref_slice %arg7[%scan3A_13, %dma_wait3A_30] : memref<80x128xi32, #tpu.memory_space<vmem>> -> memref<1x128xi32, #tpu.memory_space<vmem>>
        %dma_wait3A_32 = tpu.memref_squeeze %dma_wait3A_31 : memref<1x128xi32, #tpu.memory_space<vmem>> -> memref<128xi32, #tpu.memory_space<vmem>>
        %dma_wait3A_33 = arith.constant 0 : i32
        %dma_wait3A_34 = arith.constant 0 : i32
        %dma_wait3A_35 = tpu.memref_slice %arg10[%dma_wait3A_33, %dma_wait3A_34] : memref<10112x16xf32, #tpu.memory_space<vmem_shared>> -> memref<10112x16xf32, #tpu.memory_space<vmem_shared>>
        tpu.wait_indirect_dma semaphore(%run_scoped3A : memref<!tpu.dma_semaphore, #tpu.memory_space<semaphore_mem>>) src(%arg8 : memref<128x16xf32, #tpu.memory_space<vmem>>) dst(%dma_wait3A_35 : memref<10112x16xf32, #tpu.memory_space<vmem_shared>>)
        tpu.yield
      }) : () -> ()
    }
    %scan3A_11 = arith.constant 80 : i32
    %barrier3A_12 = arith.constant 0 : index
    tpu.barrier barrier_id(%barrier3A_12)
    "tpu.region"() ({
      %run_scoped3A = tpu.sem_alloc : memref<!tpu.dma_semaphore, #tpu.memory_space<semaphore_mem>>
      %dma_start3A = arith.constant 0 : i32
      %dma_start3A_13 = tpu.memref_slice %arg10[%mul3A_2, %dma_start3A] : memref<10112x16xf32, #tpu.memory_space<vmem_shared>> -> memref<632x16xf32, #tpu.memory_space<vmem_shared>>
      %dma_start3A_14 = arith.constant 0 : i32
      %dma_start3A_15 = tpu.memref_slice %arg10[%mul3A_2, %dma_start3A_14] : memref<10112x16xf32, #tpu.memory_space<vmem_shared>> -> memref<632x16xf32, #tpu.memory_space<vmem_shared>>
      tpu.enqueue_dma source(%dma_start3A_15 : memref<632x16xf32, #tpu.memory_space<vmem_shared>>) target(%arg9 : memref<632x16xf32, #tpu.memory_space<vmem>>) target_semaphore(%run_scoped3A : memref<!tpu.dma_semaphore, #tpu.memory_space<semaphore_mem>>)
      %dma_wait3A = arith.constant 0 : i32
      %dma_wait3A_16 = tpu.memref_slice %arg10[%mul3A_2, %dma_wait3A] : memref<10112x16xf32, #tpu.memory_space<vmem_shared>> -> memref<632x16xf32, #tpu.memory_space<vmem_shared>>
      %dma_wait3A_17 = arith.constant 0 : i32
      %dma_wait3A_18 = tpu.memref_slice %arg10[%mul3A_2, %dma_wait3A_17] : memref<10112x16xf32, #tpu.memory_space<vmem_shared>> -> memref<632x16xf32, #tpu.memory_space<vmem_shared>>
      tpu.wait_dma2 semaphore(%run_scoped3A : memref<!tpu.dma_semaphore, #tpu.memory_space<semaphore_mem>>) src(%dma_wait3A_18 : memref<632x16xf32, #tpu.memory_space<vmem_shared>>) dst(%arg9 : memref<632x16xf32, #tpu.memory_space<vmem>>)
      tpu.yield
    }) : () -> ()
    "tpu.region"() ({
      %run_scoped3A = tpu.sem_alloc : memref<!tpu.dma_semaphore, #tpu.memory_space<semaphore_mem>>
      %dma_start3A = arith.constant 0 : i32
      %dma_start3A_13 = tpu.memref_slice %arg5[%arg0, %mul3A_2, %dma_start3A] : memref<2x10112x16xf32, #tpu.memory_space<hbm>> -> memref<1x632x16xf32, #tpu.memory_space<hbm>>
      %dma_start3A_14 = tpu.memref_squeeze %dma_start3A_13 : memref<1x632x16xf32, #tpu.memory_space<hbm>> -> memref<632x16xf32, #tpu.memory_space<hbm>>
      %dma_start3A_15 = arith.constant 0 : i32
      %dma_start3A_16 = tpu.memref_slice %arg5[%arg0, %mul3A_2, %dma_start3A_15] : memref<2x10112x16xf32, #tpu.memory_space<hbm>> -> memref<1x632x16xf32, #tpu.memory_space<hbm>>
      %dma_start3A_17 = tpu.memref_squeeze %dma_start3A_16 : memref<1x632x16xf32, #tpu.memory_space<hbm>> -> memref<632x16xf32, #tpu.memory_space<hbm>>
      tpu.enqueue_dma source(%arg9 : memref<632x16xf32, #tpu.memory_space<vmem>>) target(%dma_start3A_17 : memref<632x16xf32, #tpu.memory_space<hbm>>) target_semaphore(%run_scoped3A : memref<!tpu.dma_semaphore, #tpu.memory_space<semaphore_mem>>)
      %dma_wait3A = arith.constant 0 : i32
      %dma_wait3A_18 = tpu.memref_slice %arg5[%arg0, %mul3A_2, %dma_wait3A] : memref<2x10112x16xf32, #tpu.memory_space<hbm>> -> memref<1x632x16xf32, #tpu.memory_space<hbm>>
      %dma_wait3A_19 = tpu.memref_squeeze %dma_wait3A_18 : memref<1x632x16xf32, #tpu.memory_space<hbm>> -> memref<632x16xf32, #tpu.memory_space<hbm>>
      %dma_wait3A_20 = arith.constant 0 : i32
      %dma_wait3A_21 = tpu.memref_slice %arg5[%arg0, %mul3A_2, %dma_wait3A_20] : memref<2x10112x16xf32, #tpu.memory_space<hbm>> -> memref<1x632x16xf32, #tpu.memory_space<hbm>>
      %dma_wait3A_22 = tpu.memref_squeeze %dma_wait3A_21 : memref<1x632x16xf32, #tpu.memory_space<hbm>> -> memref<632x16xf32, #tpu.memory_space<hbm>>
      tpu.wait_dma2 semaphore(%run_scoped3A : memref<!tpu.dma_semaphore, #tpu.memory_space<semaphore_mem>>) src(%arg9 : memref<632x16xf32, #tpu.memory_space<vmem>>) dst(%dma_wait3A_22 : memref<632x16xf32, #tpu.memory_space<hbm>>)
      tpu.yield
    }) : () -> ()
    return
  }
}

#map = affine_map<(d0, d1) -> (0, 0)>
#map1 = affine_map<(d0, d1) -> (0, 0, 0)>
module attributes {stable_mosaic.version = 14 : i64} {
  func.func @_sc_body(%arg0: i32, %arg1: i32, %arg2: memref<10112x16xf32, #tpu.memory_space<hbm>>, %arg3: memref<2560x128xi32, #tpu.memory_space<hbm>>, %arg4: memref<2560x128xi32, #tpu.memory_space<hbm>>, %arg5: memref<2x10112x16xf32, #tpu.memory_space<hbm>>, %arg6: memref<80x128xi32, #tpu.memory_space<vmem>>, %arg7: memref<80x128xi32, #tpu.memory_space<vmem>>, %arg8: memref<128x16xf32, #tpu.memory_space<vmem>>, %arg9: memref<632x16xf32, #tpu.memory_space<vmem>>, %arg10: memref<10112x16xf32, #tpu.memory_space<vmem_shared>>, %arg11: memref<!tpu.dma_semaphore, #tpu.memory_space<semaphore_mem>>) attributes {dimension_semantics = [#tpu.dimension_semantics<core_parallel>, #tpu.dimension_semantics<subcore_parallel>], iteration_bounds = array<i64: 2, 16>, scalar_prefetch = 0 : i64, scratch_operands = 6 : i64, tpu.core_type = #tpu.core_type<sc_vector_subcore>, window_params = [{transform_indices = #map}, {transform_indices = #map}, {transform_indices = #map}, {transform_indices = #map1}]} {
    %mul3A = arith.constant 16 : i32
    %mul3A_0 = arith.muli %arg0, %mul3A : i32
    %add3A = arith.addi %mul3A_0, %arg1 : i32
    %mul3A_1 = arith.constant 632 : i32
    %mul3A_2 = arith.muli %arg1, %mul3A_1 : i32
    "tpu.region"() ({
      %run_scoped3A = tpu.sem_alloc : memref<!tpu.dma_semaphore, #tpu.memory_space<semaphore_mem>>
      %dma_start3A = arith.constant 0 : i32
      %dma_start3A_13 = tpu.memref_slice %arg2[%mul3A_2, %dma_start3A] : memref<10112x16xf32, #tpu.memory_space<hbm>> -> memref<632x16xf32, #tpu.memory_space<hbm>>
      %dma_start3A_14 = arith.constant 0 : i32
      %dma_start3A_15 = tpu.memref_slice %arg2[%mul3A_2, %dma_start3A_14] : memref<10112x16xf32, #tpu.memory_space<hbm>> -> memref<632x16xf32, #tpu.memory_space<hbm>>
      tpu.enqueue_dma source(%dma_start3A_15 : memref<632x16xf32, #tpu.memory_space<hbm>>) target(%arg9 : memref<632x16xf32, #tpu.memory_space<vmem>>) target_semaphore(%run_scoped3A : memref<!tpu.dma_semaphore, #tpu.memory_space<semaphore_mem>>)
      %dma_wait3A = arith.constant 0 : i32
      %dma_wait3A_16 = tpu.memref_slice %arg2[%mul3A_2, %dma_wait3A] : memref<10112x16xf32, #tpu.memory_space<hbm>> -> memref<632x16xf32, #tpu.memory_space<hbm>>
      %dma_wait3A_17 = arith.constant 0 : i32
      %dma_wait3A_18 = tpu.memref_slice %arg2[%mul3A_2, %dma_wait3A_17] : memref<10112x16xf32, #tpu.memory_space<hbm>> -> memref<632x16xf32, #tpu.memory_space<hbm>>
      tpu.wait_dma2 semaphore(%run_scoped3A : memref<!tpu.dma_semaphore, #tpu.memory_space<semaphore_mem>>) src(%dma_wait3A_18 : memref<632x16xf32, #tpu.memory_space<hbm>>) dst(%arg9 : memref<632x16xf32, #tpu.memory_space<vmem>>)
      tpu.yield
    }) : () -> ()
    "tpu.region"() ({
      %run_scoped3A = tpu.sem_alloc : memref<!tpu.dma_semaphore, #tpu.memory_space<semaphore_mem>>
      %dma_start3A = arith.constant 0 : i32
      %dma_start3A_13 = tpu.memref_slice %arg10[%mul3A_2, %dma_start3A] : memref<10112x16xf32, #tpu.memory_space<vmem_shared>> -> memref<632x16xf32, #tpu.memory_space<vmem_shared>>
      %dma_start3A_14 = arith.constant 0 : i32
      %dma_start3A_15 = tpu.memref_slice %arg10[%mul3A_2, %dma_start3A_14] : memref<10112x16xf32, #tpu.memory_space<vmem_shared>> -> memref<632x16xf32, #tpu.memory_space<vmem_shared>>
      tpu.enqueue_dma source(%arg9 : memref<632x16xf32, #tpu.memory_space<vmem>>) target(%dma_start3A_15 : memref<632x16xf32, #tpu.memory_space<vmem_shared>>) target_semaphore(%run_scoped3A : memref<!tpu.dma_semaphore, #tpu.memory_space<semaphore_mem>>)
      %dma_wait3A = arith.constant 0 : i32
      %dma_wait3A_16 = tpu.memref_slice %arg10[%mul3A_2, %dma_wait3A] : memref<10112x16xf32, #tpu.memory_space<vmem_shared>> -> memref<632x16xf32, #tpu.memory_space<vmem_shared>>
      %dma_wait3A_17 = arith.constant 0 : i32
      %dma_wait3A_18 = tpu.memref_slice %arg10[%mul3A_2, %dma_wait3A_17] : memref<10112x16xf32, #tpu.memory_space<vmem_shared>> -> memref<632x16xf32, #tpu.memory_space<vmem_shared>>
      tpu.wait_dma2 semaphore(%run_scoped3A : memref<!tpu.dma_semaphore, #tpu.memory_space<semaphore_mem>>) src(%arg9 : memref<632x16xf32, #tpu.memory_space<vmem>>) dst(%dma_wait3A_18 : memref<632x16xf32, #tpu.memory_space<vmem_shared>>)
      tpu.yield
    }) : () -> ()
    %mul3A_3 = arith.constant 80 : i32
    %mul3A_4 = arith.muli %add3A, %mul3A_3 : i32
    "tpu.region"() ({
      %run_scoped3A = tpu.sem_alloc : memref<!tpu.dma_semaphore, #tpu.memory_space<semaphore_mem>>
      %dma_start3A = arith.constant 0 : i32
      %dma_start3A_13 = tpu.memref_slice %arg3[%mul3A_4, %dma_start3A] : memref<2560x128xi32, #tpu.memory_space<hbm>> -> memref<80x128xi32, #tpu.memory_space<hbm>>
      %dma_start3A_14 = arith.constant 0 : i32
      %dma_start3A_15 = tpu.memref_slice %arg3[%mul3A_4, %dma_start3A_14] : memref<2560x128xi32, #tpu.memory_space<hbm>> -> memref<80x128xi32, #tpu.memory_space<hbm>>
      tpu.enqueue_dma source(%dma_start3A_15 : memref<80x128xi32, #tpu.memory_space<hbm>>) target(%arg6 : memref<80x128xi32, #tpu.memory_space<vmem>>) target_semaphore(%run_scoped3A : memref<!tpu.dma_semaphore, #tpu.memory_space<semaphore_mem>>)
      %dma_wait3A = arith.constant 0 : i32
      %dma_wait3A_16 = tpu.memref_slice %arg3[%mul3A_4, %dma_wait3A] : memref<2560x128xi32, #tpu.memory_space<hbm>> -> memref<80x128xi32, #tpu.memory_space<hbm>>
      %dma_wait3A_17 = arith.constant 0 : i32
      %dma_wait3A_18 = tpu.memref_slice %arg3[%mul3A_4, %dma_wait3A_17] : memref<2560x128xi32, #tpu.memory_space<hbm>> -> memref<80x128xi32, #tpu.memory_space<hbm>>
      tpu.wait_dma2 semaphore(%run_scoped3A : memref<!tpu.dma_semaphore, #tpu.memory_space<semaphore_mem>>) src(%dma_wait3A_18 : memref<80x128xi32, #tpu.memory_space<hbm>>) dst(%arg6 : memref<80x128xi32, #tpu.memory_space<vmem>>)
      tpu.yield
    }) : () -> ()
    %mul3A_5 = arith.constant 80 : i32
    %mul3A_6 = arith.muli %add3A, %mul3A_5 : i32
    "tpu.region"() ({
      %run_scoped3A = tpu.sem_alloc : memref<!tpu.dma_semaphore, #tpu.memory_space<semaphore_mem>>
      %dma_start3A = arith.constant 0 : i32
      %dma_start3A_13 = tpu.memref_slice %arg4[%mul3A_6, %dma_start3A] : memref<2560x128xi32, #tpu.memory_space<hbm>> -> memref<80x128xi32, #tpu.memory_space<hbm>>
      %dma_start3A_14 = arith.constant 0 : i32
      %dma_start3A_15 = tpu.memref_slice %arg4[%mul3A_6, %dma_start3A_14] : memref<2560x128xi32, #tpu.memory_space<hbm>> -> memref<80x128xi32, #tpu.memory_space<hbm>>
      tpu.enqueue_dma source(%dma_start3A_15 : memref<80x128xi32, #tpu.memory_space<hbm>>) target(%arg7 : memref<80x128xi32, #tpu.memory_space<vmem>>) target_semaphore(%run_scoped3A : memref<!tpu.dma_semaphore, #tpu.memory_space<semaphore_mem>>)
      %dma_wait3A = arith.constant 0 : i32
      %dma_wait3A_16 = tpu.memref_slice %arg4[%mul3A_6, %dma_wait3A] : memref<2560x128xi32, #tpu.memory_space<hbm>> -> memref<80x128xi32, #tpu.memory_space<hbm>>
      %dma_wait3A_17 = arith.constant 0 : i32
      %dma_wait3A_18 = tpu.memref_slice %arg4[%mul3A_6, %dma_wait3A_17] : memref<2560x128xi32, #tpu.memory_space<hbm>> -> memref<80x128xi32, #tpu.memory_space<hbm>>
      tpu.wait_dma2 semaphore(%run_scoped3A : memref<!tpu.dma_semaphore, #tpu.memory_space<semaphore_mem>>) src(%dma_wait3A_18 : memref<80x128xi32, #tpu.memory_space<hbm>>) dst(%arg7 : memref<80x128xi32, #tpu.memory_space<vmem>>)
      tpu.yield
    }) : () -> ()
    %barrier3A = arith.constant 0 : index
    tpu.barrier barrier_id(%barrier3A)
    %scan3A = arith.constant 0 : i32
    %scan3A_7 = arith.constant 0 : i32
    %scan3A_8 = arith.constant 80 : i32
    %scan3A_9 = arith.addi %scan3A_7, %scan3A_8 : i32
    %scan3A_10 = arith.constant 1 : i32
    scf.for %scan3A_13 = %scan3A_7 to %scan3A_9 step %scan3A_10  : i32 {
      %dma_start3A = arith.constant 0 : i32
      %dma_start3A_14 = tpu.memref_slice %arg6[%scan3A_13, %dma_start3A] : memref<80x128xi32, #tpu.memory_space<vmem>> -> memref<1x128xi32, #tpu.memory_space<vmem>>
      %dma_start3A_15 = tpu.memref_squeeze %dma_start3A_14 : memref<1x128xi32, #tpu.memory_space<vmem>> -> memref<128xi32, #tpu.memory_space<vmem>>
      %dma_start3A_16 = arith.constant 0 : i32
      %dma_start3A_17 = arith.constant 0 : i32
      %dma_start3A_18 = tpu.memref_slice %arg2[%dma_start3A_16, %dma_start3A_17] : memref<10112x16xf32, #tpu.memory_space<hbm>> -> memref<10112x16xf32, #tpu.memory_space<hbm>>
      tpu.enqueue_indirect_dma source(%dma_start3A_18 : memref<10112x16xf32, #tpu.memory_space<hbm>>) target(%arg8 : memref<128x16xf32, #tpu.memory_space<vmem>>) offsets(%dma_start3A_15 : memref<128xi32, #tpu.memory_space<vmem>>) semaphore(%arg11 : memref<!tpu.dma_semaphore, #tpu.memory_space<semaphore_mem>>)
      %dma_wait3A = arith.constant 0 : i32
      %dma_wait3A_19 = tpu.memref_slice %arg6[%scan3A_13, %dma_wait3A] : memref<80x128xi32, #tpu.memory_space<vmem>> -> memref<1x128xi32, #tpu.memory_space<vmem>>
      %dma_wait3A_20 = tpu.memref_squeeze %dma_wait3A_19 : memref<1x128xi32, #tpu.memory_space<vmem>> -> memref<128xi32, #tpu.memory_space<vmem>>
      %dma_wait3A_21 = arith.constant 0 : i32
      %dma_wait3A_22 = arith.constant 0 : i32
      %dma_wait3A_23 = tpu.memref_slice %arg2[%dma_wait3A_21, %dma_wait3A_22] : memref<10112x16xf32, #tpu.memory_space<hbm>> -> memref<10112x16xf32, #tpu.memory_space<hbm>>
      tpu.wait_indirect_dma semaphore(%arg11 : memref<!tpu.dma_semaphore, #tpu.memory_space<semaphore_mem>>) src(%dma_wait3A_23 : memref<10112x16xf32, #tpu.memory_space<hbm>>) dst(%arg8 : memref<128x16xf32, #tpu.memory_space<vmem>>)
      "tpu.region"() ({
        %run_scoped3A = tpu.sem_alloc : memref<!tpu.dma_semaphore, #tpu.memory_space<semaphore_mem>>
        %dma_start3A_24 = arith.constant 0 : i32
        %dma_start3A_25 = tpu.memref_slice %arg7[%scan3A_13, %dma_start3A_24] : memref<80x128xi32, #tpu.memory_space<vmem>> -> memref<1x128xi32, #tpu.memory_space<vmem>>
        %dma_start3A_26 = tpu.memref_squeeze %dma_start3A_25 : memref<1x128xi32, #tpu.memory_space<vmem>> -> memref<128xi32, #tpu.memory_space<vmem>>
        %dma_start3A_27 = arith.constant 0 : i32
        %dma_start3A_28 = arith.constant 0 : i32
        %dma_start3A_29 = tpu.memref_slice %arg10[%dma_start3A_27, %dma_start3A_28] : memref<10112x16xf32, #tpu.memory_space<vmem_shared>> -> memref<10112x16xf32, #tpu.memory_space<vmem_shared>>
        tpu.enqueue_indirect_dma source(%arg8 : memref<128x16xf32, #tpu.memory_space<vmem>>) target(%dma_start3A_29 : memref<10112x16xf32, #tpu.memory_space<vmem_shared>>) offsets(%dma_start3A_26 : memref<128xi32, #tpu.memory_space<vmem>>) semaphore(%run_scoped3A : memref<!tpu.dma_semaphore, #tpu.memory_space<semaphore_mem>>) {add = true}
        %dma_wait3A_30 = arith.constant 0 : i32
        %dma_wait3A_31 = tpu.memref_slice %arg7[%scan3A_13, %dma_wait3A_30] : memref<80x128xi32, #tpu.memory_space<vmem>> -> memref<1x128xi32, #tpu.memory_space<vmem>>
        %dma_wait3A_32 = tpu.memref_squeeze %dma_wait3A_31 : memref<1x128xi32, #tpu.memory_space<vmem>> -> memref<128xi32, #tpu.memory_space<vmem>>
        %dma_wait3A_33 = arith.constant 0 : i32
        %dma_wait3A_34 = arith.constant 0 : i32
        %dma_wait3A_35 = tpu.memref_slice %arg10[%dma_wait3A_33, %dma_wait3A_34] : memref<10112x16xf32, #tpu.memory_space<vmem_shared>> -> memref<10112x16xf32, #tpu.memory_space<vmem_shared>>
        tpu.wait_indirect_dma semaphore(%run_scoped3A : memref<!tpu.dma_semaphore, #tpu.memory_space<semaphore_mem>>) src(%arg8 : memref<128x16xf32, #tpu.memory_space<vmem>>) dst(%dma_wait3A_35 : memref<10112x16xf32, #tpu.memory_space<vmem_shared>>)
        tpu.yield
      }) : () -> ()
    }
    %scan3A_11 = arith.constant 80 : i32
    %barrier3A_12 = arith.constant 0 : index
    tpu.barrier barrier_id(%barrier3A_12)
    "tpu.region"() ({
      %run_scoped3A = tpu.sem_alloc : memref<!tpu.dma_semaphore, #tpu.memory_space<semaphore_mem>>
      %dma_start3A = arith.constant 0 : i32
      %dma_start3A_13 = tpu.memref_slice %arg10[%mul3A_2, %dma_start3A] : memref<10112x16xf32, #tpu.memory_space<vmem_shared>> -> memref<632x16xf32, #tpu.memory_space<vmem_shared>>
      %dma_start3A_14 = arith.constant 0 : i32
      %dma_start3A_15 = tpu.memref_slice %arg10[%mul3A_2, %dma_start3A_14] : memref<10112x16xf32, #tpu.memory_space<vmem_shared>> -> memref<632x16xf32, #tpu.memory_space<vmem_shared>>
      tpu.enqueue_dma source(%dma_start3A_15 : memref<632x16xf32, #tpu.memory_space<vmem_shared>>) target(%arg9 : memref<632x16xf32, #tpu.memory_space<vmem>>) target_semaphore(%run_scoped3A : memref<!tpu.dma_semaphore, #tpu.memory_space<semaphore_mem>>)
      %dma_wait3A = arith.constant 0 : i32
      %dma_wait3A_16 = tpu.memref_slice %arg10[%mul3A_2, %dma_wait3A] : memref<10112x16xf32, #tpu.memory_space<vmem_shared>> -> memref<632x16xf32, #tpu.memory_space<vmem_shared>>
      %dma_wait3A_17 = arith.constant 0 : i32
      %dma_wait3A_18 = tpu.memref_slice %arg10[%mul3A_2, %dma_wait3A_17] : memref<10112x16xf32, #tpu.memory_space<vmem_shared>> -> memref<632x16xf32, #tpu.memory_space<vmem_shared>>
      tpu.wait_dma2 semaphore(%run_scoped3A : memref<!tpu.dma_semaphore, #tpu.memory_space<semaphore_mem>>) src(%dma_wait3A_18 : memref<632x16xf32, #tpu.memory_space<vmem_shared>>) dst(%arg9 : memref<632x16xf32, #tpu.memory_space<vmem>>)
      tpu.yield
    }) : () -> ()
    "tpu.region"() ({
      %run_scoped3A = tpu.sem_alloc : memref<!tpu.dma_semaphore, #tpu.memory_space<semaphore_mem>>
      %dma_start3A = arith.constant 0 : i32
      %dma_start3A_13 = tpu.memref_slice %arg5[%arg0, %mul3A_2, %dma_start3A] : memref<2x10112x16xf32, #tpu.memory_space<hbm>> -> memref<1x632x16xf32, #tpu.memory_space<hbm>>
      %dma_start3A_14 = tpu.memref_squeeze %dma_start3A_13 : memref<1x632x16xf32, #tpu.memory_space<hbm>> -> memref<632x16xf32, #tpu.memory_space<hbm>>
      %dma_start3A_15 = arith.constant 0 : i32
      %dma_start3A_16 = tpu.memref_slice %arg5[%arg0, %mul3A_2, %dma_start3A_15] : memref<2x10112x16xf32, #tpu.memory_space<hbm>> -> memref<1x632x16xf32, #tpu.memory_space<hbm>>
      %dma_start3A_17 = tpu.memref_squeeze %dma_start3A_16 : memref<1x632x16xf32, #tpu.memory_space<hbm>> -> memref<632x16xf32, #tpu.memory_space<hbm>>
      tpu.enqueue_dma source(%arg9 : memref<632x16xf32, #tpu.memory_space<vmem>>) target(%dma_start3A_17 : memref<632x16xf32, #tpu.memory_space<hbm>>) target_semaphore(%run_scoped3A : memref<!tpu.dma_semaphore, #tpu.memory_space<semaphore_mem>>)
      %dma_wait3A = arith.constant 0 : i32
      %dma_wait3A_18 = tpu.memref_slice %arg5[%arg0, %mul3A_2, %dma_wait3A] : memref<2x10112x16xf32, #tpu.memory_space<hbm>> -> memref<1x632x16xf32, #tpu.memory_space<hbm>>
      %dma_wait3A_19 = tpu.memref_squeeze %dma_wait3A_18 : memref<1x632x16xf32, #tpu.memory_space<hbm>> -> memref<632x16xf32, #tpu.memory_space<hbm>>
      %dma_wait3A_20 = arith.constant 0 : i32
      %dma_wait3A_21 = tpu.memref_slice %arg5[%arg0, %mul3A_2, %dma_wait3A_20] : memref<2x10112x16xf32, #tpu.memory_space<hbm>> -> memref<1x632x16xf32, #tpu.memory_space<hbm>>
      %dma_wait3A_22 = tpu.memref_squeeze %dma_wait3A_21 : memref<1x632x16xf32, #tpu.memory_space<hbm>> -> memref<632x16xf32, #tpu.memory_space<hbm>>
      tpu.wait_dma2 semaphore(%run_scoped3A : memref<!tpu.dma_semaphore, #tpu.memory_space<semaphore_mem>>) src(%arg9 : memref<632x16xf32, #tpu.memory_space<vmem>>) dst(%dma_wait3A_22 : memref<632x16xf32, #tpu.memory_space<hbm>>)
      tpu.yield
    }) : () -> ()
    return
  }
}

module attributes {stable_mosaic.version = 14 : i64} {
  func.func @_tc_a_body(%arg0: i32, %arg1: memref<2000x128xf32, #tpu.memory_space<vmem>>, %arg2: memref<128x16xf32, #tpu.memory_space<vmem>>, %arg3: memref<2000x16xf32, #tpu.memory_space<vmem>>, %arg4: memref<2000x16xf32, #tpu.memory_space<vmem>>, %arg5: memref<2000x16xf32, #tpu.memory_space<vmem>>, %arg6: memref<2000x16xf32, #tpu.memory_space<vmem>>) attributes {dimension_semantics = [#tpu.dimension_semantics<arbitrary>], iteration_bounds = array<i64: 5>, scalar_prefetch = 0 : i64, scratch_operands = 0 : i64, tpu.core_type = #tpu.core_type<tc>, window_params = [{transform_indices = @transform_0, window_bounds = array<i64: 2000, 128>}, {pipeline_mode = #tpu.pipeline_mode<synchronous>, transform_indices = @transform_1, window_bounds = array<i64: 128, 16>}, {transform_indices = @transform_2, window_bounds = array<i64: 2000, 16>}, {transform_indices = @transform_3, window_bounds = array<i64: 2000, 16>}, {transform_indices = @transform_4, window_bounds = array<i64: 2000, 16>}, {transform_indices = @transform_5, window_bounds = array<i64: 2000, 16>}]} {
    %get3A = arith.constant 0 : index
    %get3A_0 = arith.constant 0 : index
    %get3A_1 = vector.load %arg3[%get3A, %get3A_0] : memref<2000x16xf32, #tpu.memory_space<vmem>>, vector<2000x16xf32>
    %get3A_2 = arith.constant 0 : index
    %get3A_3 = arith.constant 0 : index
    %get3A_4 = vector.load %arg4[%get3A_2, %get3A_3] : memref<2000x16xf32, #tpu.memory_space<vmem>>, vector<2000x16xf32>
    %add3A = arith.addf %get3A_1, %get3A_4 : vector<2000x16xf32>
    %sub3A = arith.constant 1.000000e+00 : f32
    %sub3A_5 = vector.broadcast %sub3A : f32 to vector<2000x16xf32>
    %sub3A_6 = arith.subf %add3A, %sub3A_5 : vector<2000x16xf32>
    %rsqrt3A = math.rsqrt %sub3A_6 : vector<2000x16xf32>
    %swap3A = arith.constant 0 : index
    %swap3A_7 = arith.constant 0 : index
    %swap3A_8 = vector.load %arg5[%swap3A, %swap3A_7] : memref<2000x16xf32, #tpu.memory_space<vmem>>, vector<2000x16xf32>
    tpu.vector_store %arg5[%swap3A, %swap3A_7], %rsqrt3A {strides = array<i32>} : memref<2000x16xf32, #tpu.memory_space<vmem>>, vector<2000x16xf32>,
    %get3A_9 = arith.constant 0 : index
    %get3A_10 = arith.constant 0 : index
    %get3A_11 = vector.load %arg1[%get3A_9, %get3A_10] : memref<2000x128xf32, #tpu.memory_space<vmem>>, vector<2000x128xf32>
    %get3A_12 = arith.constant 0 : index
    %get3A_13 = arith.constant 0 : index
    %get3A_14 = vector.load %arg2[%get3A_12, %get3A_13] : memref<128x16xf32, #tpu.memory_space<vmem>>, vector<128x16xf32>
    %dot_general3A = arith.constant dense<0.000000e+00> : vector<2000x16xf32>
    %dot_general3A_15 = tpu.matmul %get3A_11, %get3A_14, %dot_general3A {dimension_numbers = #tpu.dot_dimension_numbers<[1], [0], [0], [1], [0, 0, 1, 1], [], []>, transpose_lhs_hint = false} : vector<2000x128xf32>, vector<128x16xf32>, vector<2000x16xf32> -> vector<2000x16xf32>
    %mul3A = arith.mulf %rsqrt3A, %dot_general3A_15 : vector<2000x16xf32>
    %swap3A_16 = arith.constant 0 : index
    %swap3A_17 = arith.constant 0 : index
    %swap3A_18 = vector.load %arg6[%swap3A_16, %swap3A_17] : memref<2000x16xf32, #tpu.memory_space<vmem>>, vector<2000x16xf32>
    tpu.vector_store %arg6[%swap3A_16, %swap3A_17], %mul3A {strides = array<i32>} : memref<2000x16xf32, #tpu.memory_space<vmem>>, vector<2000x16xf32>,
    return
  }
  func.func @transform_0(%arg0: i32) -> (i32, i32) {
    %c0_i32 = arith.constant 0 : i32
    %c0_i32_0 = arith.constant 0 : i32
    return %arg0, %c0_i32 : i32, i32
  }
  func.func @transform_1(%arg0: i32) -> (i32, i32) {
    %c0_i32 = arith.constant 0 : i32
    %c0_i32_0 = arith.constant 0 : i32
    %c0_i32_1 = arith.constant 0 : i32
    return %c0_i32, %c0_i32_0 : i32, i32
  }
  func.func @transform_2(%arg0: i32) -> (i32, i32) {
    %c0_i32 = arith.constant 0 : i32
    %c0_i32_0 = arith.constant 0 : i32
    return %arg0, %c0_i32 : i32, i32
  }
  func.func @transform_3(%arg0: i32) -> (i32, i32) {
    %c0_i32 = arith.constant 0 : i32
    %c0_i32_0 = arith.constant 0 : i32
    return %arg0, %c0_i32 : i32, i32
  }
  func.func @transform_4(%arg0: i32) -> (i32, i32) {
    %c0_i32 = arith.constant 0 : i32
    %c0_i32_0 = arith.constant 0 : i32
    return %arg0, %c0_i32 : i32, i32
  }
  func.func @transform_5(%arg0: i32) -> (i32, i32) {
    %c0_i32 = arith.constant 0 : i32
    %c0_i32_0 = arith.constant 0 : i32
    return %arg0, %c0_i32 : i32, i32
  }
}

module attributes {stable_mosaic.version = 14 : i64} {
  func.func @_tc_d_body(%arg0: i32, %arg1: memref<2000x16xf32, #tpu.memory_space<vmem>>, %arg2: memref<2000x16xf32, #tpu.memory_space<vmem>>, %arg3: memref<2000x16xf32, #tpu.memory_space<vmem>>, %arg4: memref<2000x16xf32, #tpu.memory_space<vmem>>, %arg5: memref<1x16xf32, #tpu.memory_space<vmem>>, %arg6: memref<16x16xf32, #tpu.memory_space<vmem>>, %arg7: memref<2000x16xf32, #tpu.memory_space<vmem>>, %arg8: memref<2000x16xf32, #tpu.memory_space<vmem>>) attributes {dimension_semantics = [#tpu.dimension_semantics<arbitrary>], iteration_bounds = array<i64: 5>, scalar_prefetch = 0 : i64, scratch_operands = 0 : i64, tpu.core_type = #tpu.core_type<tc>, window_params = [{transform_indices = @transform_0, window_bounds = array<i64: 2000, 16>}, {transform_indices = @transform_1, window_bounds = array<i64: 2000, 16>}, {transform_indices = @transform_2, window_bounds = array<i64: 2000, 16>}, {transform_indices = @transform_3, window_bounds = array<i64: 2000, 16>}, {pipeline_mode = #tpu.pipeline_mode<synchronous>, transform_indices = @transform_4, window_bounds = array<i64: 1, 16>}, {pipeline_mode = #tpu.pipeline_mode<synchronous>, transform_indices = @transform_5, window_bounds = array<i64: 16, 16>}, {transform_indices = @transform_6, window_bounds = array<i64: 2000, 16>}, {transform_indices = @transform_7, window_bounds = array<i64: 2000, 16>}]} {
    %get3A = arith.constant 0 : index
    %get3A_0 = arith.constant 0 : index
    %get3A_1 = vector.load %arg4[%get3A, %get3A_0] : memref<2000x16xf32, #tpu.memory_space<vmem>>, vector<2000x16xf32>
    %get3A_2 = arith.constant 0 : index
    %get3A_3 = arith.constant 0 : index
    %get3A_4 = vector.load %arg1[%get3A_2, %get3A_3] : memref<2000x16xf32, #tpu.memory_space<vmem>>, vector<2000x16xf32>
    %get3A_5 = arith.constant 0 : index
    %get3A_6 = arith.constant 0 : index
    %get3A_7 = vector.load %arg2[%get3A_5, %get3A_6] : memref<2000x16xf32, #tpu.memory_space<vmem>>, vector<2000x16xf32>
    %add3A = arith.addf %get3A_4, %get3A_7 : vector<2000x16xf32>
    %get3A_8 = arith.constant 0 : index
    %get3A_9 = arith.constant 0 : index
    %get3A_10 = vector.load %arg3[%get3A_8, %get3A_9] : memref<2000x16xf32, #tpu.memory_space<vmem>>, vector<2000x16xf32>
    %sub3A = arith.subf %add3A, %get3A_10 : vector<2000x16xf32>
    %mul3A = arith.mulf %get3A_1, %sub3A : vector<2000x16xf32>
    %get3A_11 = arith.constant 0 : index
    %get3A_12 = arith.constant 0 : index
    %get3A_13 = vector.load %arg5[%get3A_11, %get3A_12] : memref<1x16xf32, #tpu.memory_space<vmem>>, vector<1x16xf32>
    %add3A_14 = vector.broadcast %get3A_13 : vector<1x16xf32> to vector<2000x16xf32>
    %add3A_15 = arith.addf %mul3A, %add3A_14 : vector<2000x16xf32>
    %max3A = arith.constant 0.000000e+00 : f32
    %max3A_16 = vector.broadcast %max3A : f32 to vector<2000x16xf32>
    %max3A_17 = arith.maximumf %add3A_15, %max3A_16 : vector<2000x16xf32>
    %swap3A = arith.constant 0 : index
    %swap3A_18 = arith.constant 0 : index
    %swap3A_19 = vector.load %arg7[%swap3A, %swap3A_18] : memref<2000x16xf32, #tpu.memory_space<vmem>>, vector<2000x16xf32>
    tpu.vector_store %arg7[%swap3A, %swap3A_18], %max3A_17 {strides = array<i32>} : memref<2000x16xf32, #tpu.memory_space<vmem>>, vector<2000x16xf32>,
    %get3A_20 = arith.constant 0 : index
    %get3A_21 = arith.constant 0 : index
    %get3A_22 = vector.load %arg6[%get3A_20, %get3A_21] : memref<16x16xf32, #tpu.memory_space<vmem>>, vector<16x16xf32>
    %dot_general3A = arith.constant dense<0.000000e+00> : vector<2000x16xf32>
    %dot_general3A_23 = tpu.matmul %max3A_17, %get3A_22, %dot_general3A {dimension_numbers = #tpu.dot_dimension_numbers<[1], [0], [0], [1], [0, 0, 1, 1], [], []>, transpose_lhs_hint = false} : vector<2000x16xf32>, vector<16x16xf32>, vector<2000x16xf32> -> vector<2000x16xf32>
    %mul3A_24 = arith.mulf %get3A_1, %dot_general3A_23 : vector<2000x16xf32>
    %swap3A_25 = arith.constant 0 : index
    %swap3A_26 = arith.constant 0 : index
    %swap3A_27 = vector.load %arg8[%swap3A_25, %swap3A_26] : memref<2000x16xf32, #tpu.memory_space<vmem>>, vector<2000x16xf32>
    tpu.vector_store %arg8[%swap3A_25, %swap3A_26], %mul3A_24 {strides = array<i32>} : memref<2000x16xf32, #tpu.memory_space<vmem>>, vector<2000x16xf32>,
    return
  }
  func.func @transform_0(%arg0: i32) -> (i32, i32) {
    %c0_i32 = arith.constant 0 : i32
    %c0_i32_0 = arith.constant 0 : i32
    return %arg0, %c0_i32 : i32, i32
  }
  func.func @transform_1(%arg0: i32) -> (i32, i32) {
    %c0_i32 = arith.constant 0 : i32
    %c0_i32_0 = arith.constant 0 : i32
    return %arg0, %c0_i32 : i32, i32
  }
  func.func @transform_2(%arg0: i32) -> (i32, i32) {
    %c0_i32 = arith.constant 0 : i32
    %c0_i32_0 = arith.constant 0 : i32
    return %arg0, %c0_i32 : i32, i32
  }
  func.func @transform_3(%arg0: i32) -> (i32, i32) {
    %c0_i32 = arith.constant 0 : i32
    %c0_i32_0 = arith.constant 0 : i32
    return %arg0, %c0_i32 : i32, i32
  }
  func.func @transform_4(%arg0: i32) -> (i32, i32) {
    %c0_i32 = arith.constant 0 : i32
    %c0_i32_0 = arith.constant 0 : i32
    %c0_i32_1 = arith.constant 0 : i32
    return %c0_i32, %c0_i32_0 : i32, i32
  }
  func.func @transform_5(%arg0: i32) -> (i32, i32) {
    %c0_i32 = arith.constant 0 : i32
    %c0_i32_0 = arith.constant 0 : i32
    %c0_i32_1 = arith.constant 0 : i32
    return %c0_i32, %c0_i32_0 : i32, i32
  }
  func.func @transform_6(%arg0: i32) -> (i32, i32) {
    %c0_i32 = arith.constant 0 : i32
    %c0_i32_0 = arith.constant 0 : i32
    return %arg0, %c0_i32 : i32, i32
  }
  func.func @transform_7(%arg0: i32) -> (i32, i32) {
    %c0_i32 = arith.constant 0 : i32
    %c0_i32_0 = arith.constant 0 : i32
    return %arg0, %c0_i32 : i32, i32
  }
}

module attributes {stable_mosaic.version = 14 : i64} {
  func.func @_tc_f_body(%arg0: i32, %arg1: memref<2000x16xf32, #tpu.memory_space<vmem>>, %arg2: memref<2000x16xf32, #tpu.memory_space<vmem>>, %arg3: memref<2000x16xf32, #tpu.memory_space<vmem>>, %arg4: memref<2000x16xf32, #tpu.memory_space<vmem>>, %arg5: memref<1x16xf32, #tpu.memory_space<vmem>>, %arg6: memref<2000x16xf32, #tpu.memory_space<vmem>>, %arg7: memref<16x128xf32, #tpu.memory_space<vmem>>, %arg8: memref<32x128xf32, #tpu.memory_space<vmem>>, %arg9: memref<1x128xf32, #tpu.memory_space<vmem>>, %arg10: memref<16x128xf32, #tpu.memory_space<vmem>>, %arg11: memref<32x128xf32, #tpu.memory_space<vmem>>, %arg12: memref<1x128xf32, #tpu.memory_space<vmem>>, %arg13: memref<1x64xf32, #tpu.memory_space<vmem>>, %arg14: memref<2000x16xf32, #tpu.memory_space<vmem>>) attributes {dimension_semantics = [#tpu.dimension_semantics<arbitrary>], iteration_bounds = array<i64: 5>, scalar_prefetch = 0 : i64, scratch_operands = 0 : i64, tpu.core_type = #tpu.core_type<tc>, window_params = [{transform_indices = @transform_0, window_bounds = array<i64: 2000, 16>}, {transform_indices = @transform_1, window_bounds = array<i64: 2000, 16>}, {transform_indices = @transform_2, window_bounds = array<i64: 2000, 16>}, {transform_indices = @transform_3, window_bounds = array<i64: 2000, 16>}, {pipeline_mode = #tpu.pipeline_mode<synchronous>, transform_indices = @transform_4, window_bounds = array<i64: 1, 16>}, {transform_indices = @transform_5, window_bounds = array<i64: 2000, 16>}, {pipeline_mode = #tpu.pipeline_mode<synchronous>, transform_indices = @transform_6, window_bounds = array<i64: 16, 128>}, {pipeline_mode = #tpu.pipeline_mode<synchronous>, transform_indices = @transform_7, window_bounds = array<i64: 32, 128>}, {pipeline_mode = #tpu.pipeline_mode<synchronous>, transform_indices = @transform_8, window_bounds = array<i64: 1, 128>}, {pipeline_mode = #tpu.pipeline_mode<synchronous>, transform_indices = @transform_9, window_bounds = array<i64: 16, 128>}, {pipeline_mode = #tpu.pipeline_mode<synchronous>, transform_indices = @transform_10, window_bounds = array<i64: 32, 128>}, {pipeline_mode = #tpu.pipeline_mode<synchronous>, transform_indices = @transform_11, window_bounds = array<i64: 1, 128>}, {pipeline_mode = #tpu.pipeline_mode<synchronous>, transform_indices = @transform_12, window_bounds = array<i64: 1, 64>}, {transform_indices = @transform_13, window_bounds = array<i64: 2000, 16>}]} {
    %get3A = arith.constant 0 : index
    %get3A_0 = arith.constant 0 : index
    %get3A_1 = vector.load %arg4[%get3A, %get3A_0] : memref<2000x16xf32, #tpu.memory_space<vmem>>, vector<2000x16xf32>
    %get3A_2 = arith.constant 0 : index
    %get3A_3 = arith.constant 0 : index
    %get3A_4 = vector.load %arg6[%get3A_2, %get3A_3] : memref<2000x16xf32, #tpu.memory_space<vmem>>, vector<2000x16xf32>
    %get3A_5 = arith.constant 0 : index
    %get3A_6 = arith.constant 0 : index
    %get3A_7 = vector.load %arg1[%get3A_5, %get3A_6] : memref<2000x16xf32, #tpu.memory_space<vmem>>, vector<2000x16xf32>
    %get3A_8 = arith.constant 0 : index
    %get3A_9 = arith.constant 0 : index
    %get3A_10 = vector.load %arg2[%get3A_8, %get3A_9] : memref<2000x16xf32, #tpu.memory_space<vmem>>, vector<2000x16xf32>
    %add3A = arith.addf %get3A_7, %get3A_10 : vector<2000x16xf32>
    %get3A_11 = arith.constant 0 : index
    %get3A_12 = arith.constant 0 : index
    %get3A_13 = vector.load %arg3[%get3A_11, %get3A_12] : memref<2000x16xf32, #tpu.memory_space<vmem>>, vector<2000x16xf32>
    %sub3A = arith.subf %add3A, %get3A_13 : vector<2000x16xf32>
    %mul3A = arith.mulf %get3A_1, %sub3A : vector<2000x16xf32>
    %get3A_14 = arith.constant 0 : index
    %get3A_15 = arith.constant 0 : index
    %get3A_16 = vector.load %arg5[%get3A_14, %get3A_15] : memref<1x16xf32, #tpu.memory_space<vmem>>, vector<1x16xf32>
    %add3A_17 = vector.broadcast %get3A_16 : vector<1x16xf32> to vector<2000x16xf32>
    %add3A_18 = arith.addf %mul3A, %add3A_17 : vector<2000x16xf32>
    %max3A = arith.constant 0.000000e+00 : f32
    %max3A_19 = vector.broadcast %max3A : f32 to vector<2000x16xf32>
    %max3A_20 = arith.maximumf %add3A_18, %max3A_19 : vector<2000x16xf32>
    %get3A_21 = arith.constant 0 : index
    %get3A_22 = arith.constant 0 : index
    %get3A_23 = vector.load %arg7[%get3A_21, %get3A_22] : memref<16x128xf32, #tpu.memory_space<vmem>>, vector<16x128xf32>
    %get3A_24 = arith.constant 0 : index
    %get3A_25 = arith.constant 0 : index
    %get3A_26 = vector.load %arg9[%get3A_24, %get3A_25] : memref<1x128xf32, #tpu.memory_space<vmem>>, vector<1x128xf32>
    %dot_general3A = arith.constant dense<0.000000e+00> : vector<2000x128xf32>
    %dot_general3A_27 = tpu.matmul %get3A_4, %get3A_23, %dot_general3A {dimension_numbers = #tpu.dot_dimension_numbers<[1], [0], [0], [1], [0, 0, 1, 1], [], []>, transpose_lhs_hint = false} : vector<2000x16xf32>, vector<16x128xf32>, vector<2000x128xf32> -> vector<2000x128xf32>
    %add3A_28 = vector.broadcast %get3A_26 : vector<1x128xf32> to vector<2000x128xf32>
    %add3A_29 = arith.addf %dot_general3A_27, %add3A_28 : vector<2000x128xf32>
    %slice3A = vector.extract_strided_slice %add3A_29 {offsets = [0, 0], sizes = [2000, 32], strides = [1, 1]} : vector<2000x128xf32> to vector<2000x32xf32>
    %logistic3A = arith.negf %slice3A : vector<2000x32xf32>
    %logistic3A_30 = math.exp %logistic3A : vector<2000x32xf32>
    %logistic3A_31 = arith.constant 1.000000e+00 : f32
    %logistic3A_32 = vector.broadcast %logistic3A_31 : f32 to vector<2000x32xf32>
    %logistic3A_33 = arith.addf %logistic3A_32, %logistic3A_30 : vector<2000x32xf32>
    %logistic3A_34 = arith.divf %logistic3A_32, %logistic3A_33 : vector<2000x32xf32>
    %slice3A_35 = vector.extract_strided_slice %add3A_29 {offsets = [0, 64], sizes = [2000, 32], strides = [1, 1]} : vector<2000x128xf32> to vector<2000x32xf32>
    %tanh3A = math.tanh %slice3A_35 : vector<2000x32xf32>
    %slice3A_36 = vector.extract_strided_slice %add3A_29 {offsets = [0, 96], sizes = [2000, 32], strides = [1, 1]} : vector<2000x128xf32> to vector<2000x32xf32>
    %logistic3A_37 = arith.negf %slice3A_36 : vector<2000x32xf32>
    %logistic3A_38 = math.exp %logistic3A_37 : vector<2000x32xf32>
    %logistic3A_39 = arith.constant 1.000000e+00 : f32
    %logistic3A_40 = vector.broadcast %logistic3A_39 : f32 to vector<2000x32xf32>
    %logistic3A_41 = arith.addf %logistic3A_40, %logistic3A_38 : vector<2000x32xf32>
    %logistic3A_42 = arith.divf %logistic3A_40, %logistic3A_41 : vector<2000x32xf32>
    %mul3A_43 = arith.mulf %logistic3A_34, %tanh3A : vector<2000x32xf32>
    %tanh3A_44 = math.tanh %mul3A_43 : vector<2000x32xf32>
    %mul3A_45 = arith.mulf %logistic3A_42, %tanh3A_44 : vector<2000x32xf32>
    %get3A_46 = arith.constant 0 : index
    %get3A_47 = arith.constant 0 : index
    %get3A_48 = vector.load %arg7[%get3A_46, %get3A_47] : memref<16x128xf32, #tpu.memory_space<vmem>>, vector<16x128xf32>
    %get3A_49 = arith.constant 0 : index
    %get3A_50 = arith.constant 0 : index
    %get3A_51 = vector.load %arg8[%get3A_49, %get3A_50] : memref<32x128xf32, #tpu.memory_space<vmem>>, vector<32x128xf32>
    %get3A_52 = arith.constant 0 : index
    %get3A_53 = arith.constant 0 : index
    %get3A_54 = vector.load %arg9[%get3A_52, %get3A_53] : memref<1x128xf32, #tpu.memory_space<vmem>>, vector<1x128xf32>
    %dot_general3A_55 = arith.constant dense<0.000000e+00> : vector<2000x128xf32>
    %dot_general3A_56 = tpu.matmul %max3A_20, %get3A_48, %dot_general3A_55 {dimension_numbers = #tpu.dot_dimension_numbers<[1], [0], [0], [1], [0, 0, 1, 1], [], []>, transpose_lhs_hint = false} : vector<2000x16xf32>, vector<16x128xf32>, vector<2000x128xf32> -> vector<2000x128xf32>
    %add3A_57 = vector.broadcast %get3A_54 : vector<1x128xf32> to vector<2000x128xf32>
    %add3A_58 = arith.addf %dot_general3A_56, %add3A_57 : vector<2000x128xf32>
    %dot_general3A_59 = arith.constant dense<0.000000e+00> : vector<2000x128xf32>
    %dot_general3A_60 = tpu.matmul %mul3A_45, %get3A_51, %dot_general3A_59 {dimension_numbers = #tpu.dot_dimension_numbers<[1], [0], [0], [1], [0, 0, 1, 1], [], []>, transpose_lhs_hint = false} : vector<2000x32xf32>, vector<32x128xf32>, vector<2000x128xf32> -> vector<2000x128xf32>
    %add3A_61 = arith.addf %add3A_58, %dot_general3A_60 : vector<2000x128xf32>
    %slice3A_62 = vector.extract_strided_slice %add3A_61 {offsets = [0, 0], sizes = [2000, 32], strides = [1, 1]} : vector<2000x128xf32> to vector<2000x32xf32>
    %logistic3A_63 = arith.negf %slice3A_62 : vector<2000x32xf32>
    %logistic3A_64 = math.exp %logistic3A_63 : vector<2000x32xf32>
    %logistic3A_65 = arith.constant 1.000000e+00 : f32
    %logistic3A_66 = vector.broadcast %logistic3A_65 : f32 to vector<2000x32xf32>
    %logistic3A_67 = arith.addf %logistic3A_66, %logistic3A_64 : vector<2000x32xf32>
    %logistic3A_68 = arith.divf %logistic3A_66, %logistic3A_67 : vector<2000x32xf32>
    %slice3A_69 = vector.extract_strided_slice %add3A_61 {offsets = [0, 32], sizes = [2000, 32], strides = [1, 1]} : vector<2000x128xf32> to vector<2000x32xf32>
    %logistic3A_70 = arith.negf %slice3A_69 : vector<2000x32xf32>
    %logistic3A_71 = math.exp %logistic3A_70 : vector<2000x32xf32>
    %logistic3A_72 = arith.constant 1.000000e+00 : f32
    %logistic3A_73 = vector.broadcast %logistic3A_72 : f32 to vector<2000x32xf32>
    %logistic3A_74 = arith.addf %logistic3A_73, %logistic3A_71 : vector<2000x32xf32>
    %logistic3A_75 = arith.divf %logistic3A_73, %logistic3A_74 : vector<2000x32xf32>
    %slice3A_76 = vector.extract_strided_slice %add3A_61 {offsets = [0, 64], sizes = [2000, 32], strides = [1, 1]} : vector<2000x128xf32> to vector<2000x32xf32>
    %tanh3A_77 = math.tanh %slice3A_76 : vector<2000x32xf32>
    %slice3A_78 = vector.extract_strided_slice %add3A_61 {offsets = [0, 96], sizes = [2000, 32], strides = [1, 1]} : vector<2000x128xf32> to vector<2000x32xf32>
    %logistic3A_79 = arith.negf %slice3A_78 : vector<2000x32xf32>
    %logistic3A_80 = math.exp %logistic3A_79 : vector<2000x32xf32>
    %logistic3A_81 = arith.constant 1.000000e+00 : f32
    %logistic3A_82 = vector.broadcast %logistic3A_81 : f32 to vector<2000x32xf32>
    %logistic3A_83 = arith.addf %logistic3A_82, %logistic3A_80 : vector<2000x32xf32>
    %logistic3A_84 = arith.divf %logistic3A_82, %logistic3A_83 : vector<2000x32xf32>
    %mul3A_85 = arith.mulf %logistic3A_75, %mul3A_43 : vector<2000x32xf32>
    %mul3A_86 = arith.mulf %logistic3A_68, %tanh3A_77 : vector<2000x32xf32>
    %add3A_87 = arith.addf %mul3A_85, %mul3A_86 : vector<2000x32xf32>
    %tanh3A_88 = math.tanh %add3A_87 : vector<2000x32xf32>
    %mul3A_89 = arith.mulf %logistic3A_84, %tanh3A_88 : vector<2000x32xf32>
    %get3A_90 = arith.constant 0 : index
    %get3A_91 = arith.constant 0 : index
    %get3A_92 = vector.load %arg10[%get3A_90, %get3A_91] : memref<16x128xf32, #tpu.memory_space<vmem>>, vector<16x128xf32>
    %get3A_93 = arith.constant 0 : index
    %get3A_94 = arith.constant 0 : index
    %get3A_95 = vector.load %arg12[%get3A_93, %get3A_94] : memref<1x128xf32, #tpu.memory_space<vmem>>, vector<1x128xf32>
    %dot_general3A_96 = arith.constant dense<0.000000e+00> : vector<2000x128xf32>
    %dot_general3A_97 = tpu.matmul %max3A_20, %get3A_92, %dot_general3A_96 {dimension_numbers = #tpu.dot_dimension_numbers<[1], [0], [0], [1], [0, 0, 1, 1], [], []>, transpose_lhs_hint = false} : vector<2000x16xf32>, vector<16x128xf32>, vector<2000x128xf32> -> vector<2000x128xf32>
    %add3A_98 = vector.broadcast %get3A_95 : vector<1x128xf32> to vector<2000x128xf32>
    %add3A_99 = arith.addf %dot_general3A_97, %add3A_98 : vector<2000x128xf32>
    %slice3A_100 = vector.extract_strided_slice %add3A_99 {offsets = [0, 0], sizes = [2000, 32], strides = [1, 1]} : vector<2000x128xf32> to vector<2000x32xf32>
    %logistic3A_101 = arith.negf %slice3A_100 : vector<2000x32xf32>
    %logistic3A_102 = math.exp %logistic3A_101 : vector<2000x32xf32>
    %logistic3A_103 = arith.constant 1.000000e+00 : f32
    %logistic3A_104 = vector.broadcast %logistic3A_103 : f32 to vector<2000x32xf32>
    %logistic3A_105 = arith.addf %logistic3A_104, %logistic3A_102 : vector<2000x32xf32>
    %logistic3A_106 = arith.divf %logistic3A_104, %logistic3A_105 : vector<2000x32xf32>
    %slice3A_107 = vector.extract_strided_slice %add3A_99 {offsets = [0, 64], sizes = [2000, 32], strides = [1, 1]} : vector<2000x128xf32> to vector<2000x32xf32>
    %tanh3A_108 = math.tanh %slice3A_107 : vector<2000x32xf32>
    %slice3A_109 = vector.extract_strided_slice %add3A_99 {offsets = [0, 96], sizes = [2000, 32], strides = [1, 1]} : vector<2000x128xf32> to vector<2000x32xf32>
    %logistic3A_110 = arith.negf %slice3A_109 : vector<2000x32xf32>
    %logistic3A_111 = math.exp %logistic3A_110 : vector<2000x32xf32>
    %logistic3A_112 = arith.constant 1.000000e+00 : f32
    %logistic3A_113 = vector.broadcast %logistic3A_112 : f32 to vector<2000x32xf32>
    %logistic3A_114 = arith.addf %logistic3A_113, %logistic3A_111 : vector<2000x32xf32>
    %logistic3A_115 = arith.divf %logistic3A_113, %logistic3A_114 : vector<2000x32xf32>
    %mul3A_116 = arith.mulf %logistic3A_106, %tanh3A_108 : vector<2000x32xf32>
    %tanh3A_117 = math.tanh %mul3A_116 : vector<2000x32xf32>
    %mul3A_118 = arith.mulf %logistic3A_115, %tanh3A_117 : vector<2000x32xf32>
    %get3A_119 = arith.constant 0 : index
    %get3A_120 = arith.constant 0 : index
    %get3A_121 = vector.load %arg10[%get3A_119, %get3A_120] : memref<16x128xf32, #tpu.memory_space<vmem>>, vector<16x128xf32>
    %get3A_122 = arith.constant 0 : index
    %get3A_123 = arith.constant 0 : index
    %get3A_124 = vector.load %arg11[%get3A_122, %get3A_123] : memref<32x128xf32, #tpu.memory_space<vmem>>, vector<32x128xf32>
    %get3A_125 = arith.constant 0 : index
    %get3A_126 = arith.constant 0 : index
    %get3A_127 = vector.load %arg12[%get3A_125, %get3A_126] : memref<1x128xf32, #tpu.memory_space<vmem>>, vector<1x128xf32>
    %dot_general3A_128 = arith.constant dense<0.000000e+00> : vector<2000x128xf32>
    %dot_general3A_129 = tpu.matmul %get3A_4, %get3A_121, %dot_general3A_128 {dimension_numbers = #tpu.dot_dimension_numbers<[1], [0], [0], [1], [0, 0, 1, 1], [], []>, transpose_lhs_hint = false} : vector<2000x16xf32>, vector<16x128xf32>, vector<2000x128xf32> -> vector<2000x128xf32>
    %add3A_130 = vector.broadcast %get3A_127 : vector<1x128xf32> to vector<2000x128xf32>
    %add3A_131 = arith.addf %dot_general3A_129, %add3A_130 : vector<2000x128xf32>
    %dot_general3A_132 = arith.constant dense<0.000000e+00> : vector<2000x128xf32>
    %dot_general3A_133 = tpu.matmul %mul3A_118, %get3A_124, %dot_general3A_132 {dimension_numbers = #tpu.dot_dimension_numbers<[1], [0], [0], [1], [0, 0, 1, 1], [], []>, transpose_lhs_hint = false} : vector<2000x32xf32>, vector<32x128xf32>, vector<2000x128xf32> -> vector<2000x128xf32>
    %add3A_134 = arith.addf %add3A_131, %dot_general3A_133 : vector<2000x128xf32>
    %slice3A_135 = vector.extract_strided_slice %add3A_134 {offsets = [0, 0], sizes = [2000, 32], strides = [1, 1]} : vector<2000x128xf32> to vector<2000x32xf32>
    %logistic3A_136 = arith.negf %slice3A_135 : vector<2000x32xf32>
    %logistic3A_137 = math.exp %logistic3A_136 : vector<2000x32xf32>
    %logistic3A_138 = arith.constant 1.000000e+00 : f32
    %logistic3A_139 = vector.broadcast %logistic3A_138 : f32 to vector<2000x32xf32>
    %logistic3A_140 = arith.addf %logistic3A_139, %logistic3A_137 : vector<2000x32xf32>
    %logistic3A_141 = arith.divf %logistic3A_139, %logistic3A_140 : vector<2000x32xf32>
    %slice3A_142 = vector.extract_strided_slice %add3A_134 {offsets = [0, 32], sizes = [2000, 32], strides = [1, 1]} : vector<2000x128xf32> to vector<2000x32xf32>
    %logistic3A_143 = arith.negf %slice3A_142 : vector<2000x32xf32>
    %logistic3A_144 = math.exp %logistic3A_143 : vector<2000x32xf32>
    %logistic3A_145 = arith.constant 1.000000e+00 : f32
    %logistic3A_146 = vector.broadcast %logistic3A_145 : f32 to vector<2000x32xf32>
    %logistic3A_147 = arith.addf %logistic3A_146, %logistic3A_144 : vector<2000x32xf32>
    %logistic3A_148 = arith.divf %logistic3A_146, %logistic3A_147 : vector<2000x32xf32>
    %slice3A_149 = vector.extract_strided_slice %add3A_134 {offsets = [0, 64], sizes = [2000, 32], strides = [1, 1]} : vector<2000x128xf32> to vector<2000x32xf32>
    %tanh3A_150 = math.tanh %slice3A_149 : vector<2000x32xf32>
    %slice3A_151 = vector.extract_strided_slice %add3A_134 {offsets = [0, 96], sizes = [2000, 32], strides = [1, 1]} : vector<2000x128xf32> to vector<2000x32xf32>
    %logistic3A_152 = arith.negf %slice3A_151 : vector<2000x32xf32>
    %logistic3A_153 = math.exp %logistic3A_152 : vector<2000x32xf32>
    %logistic3A_154 = arith.constant 1.000000e+00 : f32
    %logistic3A_155 = vector.broadcast %logistic3A_154 : f32 to vector<2000x32xf32>
    %logistic3A_156 = arith.addf %logistic3A_155, %logistic3A_153 : vector<2000x32xf32>
    %logistic3A_157 = arith.divf %logistic3A_155, %logistic3A_156 : vector<2000x32xf32>
    %mul3A_158 = arith.mulf %logistic3A_148, %mul3A_116 : vector<2000x32xf32>
    %mul3A_159 = arith.mulf %logistic3A_141, %tanh3A_150 : vector<2000x32xf32>
    %add3A_160 = arith.addf %mul3A_158, %mul3A_159 : vector<2000x32xf32>
    %tanh3A_161 = math.tanh %add3A_160 : vector<2000x32xf32>
    %mul3A_162 = arith.mulf %logistic3A_157, %tanh3A_161 : vector<2000x32xf32>
    %get3A_163 = arith.constant 0 : index
    %get3A_164 = arith.constant 0 : index
    %get3A_165 = vector.load %arg13[%get3A_163, %get3A_164] : memref<1x64xf32, #tpu.memory_space<vmem>>, vector<1x64xf32>
    %concatenate3A = tpu.concatenate %mul3A_45, %mul3A_162 in 1 : vector<2000x32xf32>, vector<2000x32xf32> -> vector<2000x64xf32>
    %mul3A_166 = vector.broadcast %get3A_165 : vector<1x64xf32> to vector<2000x64xf32>
    %mul3A_167 = arith.mulf %concatenate3A, %mul3A_166 : vector<2000x64xf32>
    %reduce_sum3A = arith.constant dense<0.000000e+00> : vector<2000xf32>
    %reduce_sum3A_168 = vector.multi_reduction <add>, %mul3A_167, %reduce_sum3A [1] : vector<2000x64xf32> to vector<2000xf32>
    %broadcast_in_dim3A = vector.shape_cast %reduce_sum3A_168 : vector<2000xf32> to vector<2000x1xf32>
    %concatenate3A_169 = tpu.concatenate %mul3A_89, %mul3A_118 in 1 : vector<2000x32xf32>, vector<2000x32xf32> -> vector<2000x64xf32>
    %mul3A_170 = vector.broadcast %get3A_165 : vector<1x64xf32> to vector<2000x64xf32>
    %mul3A_171 = arith.mulf %concatenate3A_169, %mul3A_170 : vector<2000x64xf32>
    %reduce_sum3A_172 = arith.constant dense<0.000000e+00> : vector<2000xf32>
    %reduce_sum3A_173 = vector.multi_reduction <add>, %mul3A_171, %reduce_sum3A_172 [1] : vector<2000x64xf32> to vector<2000xf32>
    %broadcast_in_dim3A_174 = vector.shape_cast %reduce_sum3A_173 : vector<2000xf32> to vector<2000x1xf32>
    %sub3A_175 = arith.subf %broadcast_in_dim3A, %broadcast_in_dim3A_174 : vector<2000x1xf32>
    %logistic3A_176 = arith.negf %sub3A_175 : vector<2000x1xf32>
    %logistic3A_177 = math.exp %logistic3A_176 : vector<2000x1xf32>
    %logistic3A_178 = arith.constant 1.000000e+00 : f32
    %logistic3A_179 = vector.broadcast %logistic3A_178 : f32 to vector<2000x1xf32>
    %logistic3A_180 = arith.addf %logistic3A_179, %logistic3A_177 : vector<2000x1xf32>
    %logistic3A_181 = arith.divf %logistic3A_179, %logistic3A_180 : vector<2000x1xf32>
    %mul3A_182 = vector.broadcast %logistic3A_181 : vector<2000x1xf32> to vector<2000x16xf32>
    %mul3A_183 = arith.mulf %mul3A_182, %get3A_4 : vector<2000x16xf32>
    %sub3A_184 = arith.constant 1.000000e+00 : f32
    %sub3A_185 = vector.broadcast %sub3A_184 : f32 to vector<2000x1xf32>
    %sub3A_186 = arith.subf %sub3A_185, %logistic3A_181 : vector<2000x1xf32>
    %mul3A_187 = vector.broadcast %sub3A_186 : vector<2000x1xf32> to vector<2000x16xf32>
    %mul3A_188 = arith.mulf %mul3A_187, %max3A_20 : vector<2000x16xf32>
    %add3A_189 = arith.addf %mul3A_183, %mul3A_188 : vector<2000x16xf32>
    %mul3A_190 = arith.mulf %get3A_1, %add3A_189 : vector<2000x16xf32>
    %swap3A = arith.constant 0 : index
    %swap3A_191 = arith.constant 0 : index
    %swap3A_192 = vector.load %arg14[%swap3A, %swap3A_191] : memref<2000x16xf32, #tpu.memory_space<vmem>>, vector<2000x16xf32>
    tpu.vector_store %arg14[%swap3A, %swap3A_191], %mul3A_190 {strides = array<i32>} : memref<2000x16xf32, #tpu.memory_space<vmem>>, vector<2000x16xf32>,
    return
  }
  func.func @transform_0(%arg0: i32) -> (i32, i32) {
    %c0_i32 = arith.constant 0 : i32
    %c0_i32_0 = arith.constant 0 : i32
    return %arg0, %c0_i32 : i32, i32
  }
  func.func @transform_1(%arg0: i32) -> (i32, i32) {
    %c0_i32 = arith.constant 0 : i32
    %c0_i32_0 = arith.constant 0 : i32
    return %arg0, %c0_i32 : i32, i32
  }
  func.func @transform_2(%arg0: i32) -> (i32, i32) {
    %c0_i32 = arith.constant 0 : i32
    %c0_i32_0 = arith.constant 0 : i32
    return %arg0, %c0_i32 : i32, i32
  }
  func.func @transform_3(%arg0: i32) -> (i32, i32) {
    %c0_i32 = arith.constant 0 : i32
    %c0_i32_0 = arith.constant 0 : i32
    return %arg0, %c0_i32 : i32, i32
  }
  func.func @transform_4(%arg0: i32) -> (i32, i32) {
    %c0_i32 = arith.constant 0 : i32
    %c0_i32_0 = arith.constant 0 : i32
    %c0_i32_1 = arith.constant 0 : i32
    return %c0_i32, %c0_i32_0 : i32, i32
  }
  func.func @transform_5(%arg0: i32) -> (i32, i32) {
    %c0_i32 = arith.constant 0 : i32
    %c0_i32_0 = arith.constant 0 : i32
    return %arg0, %c0_i32 : i32, i32
  }
  func.func @transform_6(%arg0: i32) -> (i32, i32) {
    %c0_i32 = arith.constant 0 : i32
    %c0_i32_0 = arith.constant 0 : i32
    %c0_i32_1 = arith.constant 0 : i32
    return %c0_i32, %c0_i32_0 : i32, i32
  }
  func.func @transform_7(%arg0: i32) -> (i32, i32) {
    %c0_i32 = arith.constant 0 : i32
    %c0_i32_0 = arith.constant 0 : i32
    %c0_i32_1 = arith.constant 0 : i32
    return %c0_i32, %c0_i32_0 : i32, i32
  }
  func.func @transform_8(%arg0: i32) -> (i32, i32) {
    %c0_i32 = arith.constant 0 : i32
    %c0_i32_0 = arith.constant 0 : i32
    %c0_i32_1 = arith.constant 0 : i32
    return %c0_i32, %c0_i32_0 : i32, i32
  }
  func.func @transform_9(%arg0: i32) -> (i32, i32) {
    %c0_i32 = arith.constant 0 : i32
    %c0_i32_0 = arith.constant 0 : i32
    %c0_i32_1 = arith.constant 0 : i32
    return %c0_i32, %c0_i32_0 : i32, i32
  }
  func.func @transform_10(%arg0: i32) -> (i32, i32) {
    %c0_i32 = arith.constant 0 : i32
    %c0_i32_0 = arith.constant 0 : i32
    %c0_i32_1 = arith.constant 0 : i32
    return %c0_i32, %c0_i32_0 : i32, i32
  }
  func.func @transform_11(%arg0: i32) -> (i32, i32) {
    %c0_i32 = arith.constant 0 : i32
    %c0_i32_0 = arith.constant 0 : i32
    %c0_i32_1 = arith.constant 0 : i32
    return %c0_i32, %c0_i32_0 : i32, i32
  }
  func.func @transform_12(%arg0: i32) -> (i32, i32) {
    %c0_i32 = arith.constant 0 : i32
    %c0_i32_0 = arith.constant 0 : i32
    %c0_i32_1 = arith.constant 0 : i32
    return %c0_i32, %c0_i32_0 : i32, i32
  }
  func.func @transform_13(%arg0: i32) -> (i32, i32) {
    %c0_i32 = arith.constant 0 : i32
    %c0_i32_0 = arith.constant 0 : i32
    return %arg0, %c0_i32 : i32, i32
  }
}

module attributes {stable_mosaic.version = 14 : i64} {
  func.func @_tc_h_body(%arg0: i32, %arg1: memref<2000x16xf32, #tpu.memory_space<vmem>>, %arg2: memref<2000x16xf32, #tpu.memory_space<vmem>>, %arg3: memref<2000x16xf32, #tpu.memory_space<vmem>>, %arg4: memref<2000x16xf32, #tpu.memory_space<vmem>>, %arg5: memref<16x16xf32, #tpu.memory_space<vmem>>, %arg6: memref<1x16xf32, #tpu.memory_space<vmem>>, %arg7: memref<2000x16xf32, #tpu.memory_space<vmem>>) attributes {dimension_semantics = [#tpu.dimension_semantics<arbitrary>], iteration_bounds = array<i64: 5>, scalar_prefetch = 0 : i64, scratch_operands = 0 : i64, tpu.core_type = #tpu.core_type<tc>, window_params = [{transform_indices = @transform_0, window_bounds = array<i64: 2000, 16>}, {transform_indices = @transform_1, window_bounds = array<i64: 2000, 16>}, {transform_indices = @transform_2, window_bounds = array<i64: 2000, 16>}, {transform_indices = @transform_3, window_bounds = array<i64: 2000, 16>}, {pipeline_mode = #tpu.pipeline_mode<synchronous>, transform_indices = @transform_4, window_bounds = array<i64: 16, 16>}, {pipeline_mode = #tpu.pipeline_mode<synchronous>, transform_indices = @transform_5, window_bounds = array<i64: 1, 16>}, {transform_indices = @transform_6, window_bounds = array<i64: 2000, 16>}]} {
    %get3A = arith.constant 0 : index
    %get3A_0 = arith.constant 0 : index
    %get3A_1 = vector.load %arg4[%get3A, %get3A_0] : memref<2000x16xf32, #tpu.memory_space<vmem>>, vector<2000x16xf32>
    %get3A_2 = arith.constant 0 : index
    %get3A_3 = arith.constant 0 : index
    %get3A_4 = vector.load %arg1[%get3A_2, %get3A_3] : memref<2000x16xf32, #tpu.memory_space<vmem>>, vector<2000x16xf32>
    %get3A_5 = arith.constant 0 : index
    %get3A_6 = arith.constant 0 : index
    %get3A_7 = vector.load %arg2[%get3A_5, %get3A_6] : memref<2000x16xf32, #tpu.memory_space<vmem>>, vector<2000x16xf32>
    %add3A = arith.addf %get3A_4, %get3A_7 : vector<2000x16xf32>
    %get3A_8 = arith.constant 0 : index
    %get3A_9 = arith.constant 0 : index
    %get3A_10 = vector.load %arg3[%get3A_8, %get3A_9] : memref<2000x16xf32, #tpu.memory_space<vmem>>, vector<2000x16xf32>
    %sub3A = arith.subf %add3A, %get3A_10 : vector<2000x16xf32>
    %mul3A = arith.mulf %get3A_1, %sub3A : vector<2000x16xf32>
    %get3A_11 = arith.constant 0 : index
    %get3A_12 = arith.constant 0 : index
    %get3A_13 = vector.load %arg5[%get3A_11, %get3A_12] : memref<16x16xf32, #tpu.memory_space<vmem>>, vector<16x16xf32>
    %dot_general3A = arith.constant dense<0.000000e+00> : vector<2000x16xf32>
    %dot_general3A_14 = tpu.matmul %mul3A, %get3A_13, %dot_general3A {dimension_numbers = #tpu.dot_dimension_numbers<[1], [0], [0], [1], [0, 0, 1, 1], [], []>, transpose_lhs_hint = false} : vector<2000x16xf32>, vector<16x16xf32>, vector<2000x16xf32> -> vector<2000x16xf32>
    %get3A_15 = arith.constant 0 : index
    %get3A_16 = arith.constant 0 : index
    %get3A_17 = vector.load %arg6[%get3A_15, %get3A_16] : memref<1x16xf32, #tpu.memory_space<vmem>>, vector<1x16xf32>
    %add3A_18 = vector.broadcast %get3A_17 : vector<1x16xf32> to vector<2000x16xf32>
    %add3A_19 = arith.addf %dot_general3A_14, %add3A_18 : vector<2000x16xf32>
    %reduce_max3A = arith.constant dense<0xFF800000> : vector<2000xf32>
    %reduce_max3A_20 = vector.multi_reduction <maximumf>, %add3A_19, %reduce_max3A [1] : vector<2000x16xf32> to vector<2000xf32>
    %broadcast_in_dim3A = vector.shape_cast %reduce_max3A_20 : vector<2000xf32> to vector<2000x1xf32>
    %sub3A_21 = vector.broadcast %broadcast_in_dim3A : vector<2000x1xf32> to vector<2000x16xf32>
    %sub3A_22 = arith.subf %add3A_19, %sub3A_21 : vector<2000x16xf32>
    %sub3A_23 = vector.broadcast %broadcast_in_dim3A : vector<2000x1xf32> to vector<2000x16xf32>
    %sub3A_24 = arith.subf %add3A_19, %sub3A_23 : vector<2000x16xf32>
    %exp3A = math.exp %sub3A_24 : vector<2000x16xf32>
    %reduce_sum3A = arith.constant dense<0.000000e+00> : vector<2000xf32>
    %reduce_sum3A_25 = vector.multi_reduction <add>, %exp3A, %reduce_sum3A [1] : vector<2000x16xf32> to vector<2000xf32>
    %broadcast_in_dim3A_26 = vector.shape_cast %reduce_sum3A_25 : vector<2000xf32> to vector<2000x1xf32>
    %log3A = math.log %broadcast_in_dim3A_26 : vector<2000x1xf32>
    %sub3A_27 = vector.broadcast %log3A : vector<2000x1xf32> to vector<2000x16xf32>
    %sub3A_28 = arith.subf %sub3A_22, %sub3A_27 : vector<2000x16xf32>
    %swap3A = arith.constant 0 : index
    %swap3A_29 = arith.constant 0 : index
    %swap3A_30 = vector.load %arg7[%swap3A, %swap3A_29] : memref<2000x16xf32, #tpu.memory_space<vmem>>, vector<2000x16xf32>
    tpu.vector_store %arg7[%swap3A, %swap3A_29], %sub3A_28 {strides = array<i32>} : memref<2000x16xf32, #tpu.memory_space<vmem>>, vector<2000x16xf32>,
    return
  }
  func.func @transform_0(%arg0: i32) -> (i32, i32) {
    %c0_i32 = arith.constant 0 : i32
    %c0_i32_0 = arith.constant 0 : i32
    return %arg0, %c0_i32 : i32, i32
  }
  func.func @transform_1(%arg0: i32) -> (i32, i32) {
    %c0_i32 = arith.constant 0 : i32
    %c0_i32_0 = arith.constant 0 : i32
    return %arg0, %c0_i32 : i32, i32
  }
  func.func @transform_2(%arg0: i32) -> (i32, i32) {
    %c0_i32 = arith.constant 0 : i32
    %c0_i32_0 = arith.constant 0 : i32
    return %arg0, %c0_i32 : i32, i32
  }
  func.func @transform_3(%arg0: i32) -> (i32, i32) {
    %c0_i32 = arith.constant 0 : i32
    %c0_i32_0 = arith.constant 0 : i32
    return %arg0, %c0_i32 : i32, i32
  }
  func.func @transform_4(%arg0: i32) -> (i32, i32) {
    %c0_i32 = arith.constant 0 : i32
    %c0_i32_0 = arith.constant 0 : i32
    %c0_i32_1 = arith.constant 0 : i32
    return %c0_i32, %c0_i32_0 : i32, i32
  }
  func.func @transform_5(%arg0: i32) -> (i32, i32) {
    %c0_i32 = arith.constant 0 : i32
    %c0_i32_0 = arith.constant 0 : i32
    %c0_i32_1 = arith.constant 0 : i32
    return %c0_i32, %c0_i32_0 : i32, i32
  }
  func.func @transform_6(%arg0: i32) -> (i32, i32) {
    %c0_i32 = arith.constant 0 : i32
    %c0_i32_0 = arith.constant 0 : i32
    return %arg0, %c0_i32 : i32, i32
  }
}

</mosaic_0001>

<sc_bundles>
// kernel: kernel.10.cloned.1.call-start
scs
__scs_entry_jumppad:
0x0: {  	(pc) =	sbr.rel $0x88, $3  }
0x1: {  	(tag) =	ssettag $0x0;
	lr =	simm.s32 $0x1  }
0x2: {  	[smem:$0x3F90] =	sst lr;
	_ =	strace $0xD0000000  }
0x3: {  	_ = 	snop  }
0x4: {  	_ = 	snop  }
0x5: {  	_ = 	snop  }
0x6: {  	_ = 	snop  }
0x7: {  	_ = 	snop  }
__scs_overlays_trampoline_lowered:
0x8: {  	[smem:$0x3F9F] =	sst s0  }
0x9: {  	[smem:$0x3FA0] =	sst s1  }
0xa: {  	[smem:$0x3FA1] =	sst s2  }
0xb: {  	[smem:$0x3FA2] =	sst s3  }
0xc: {  	[smem:$0x3FA3] =	sst s4  }
0xd: {  	[smem:$0x3FA4] =	sst s5  }
0xe: {  	[smem:$0x3FA5] =	sst s6  }
0xf: {  	[smem:$0x3FA6] =	sst s7  }
0x10: {  	[smem:$0x3FA7] =	sst s8  }
0x11: {  	[smem:$0x3FA8] =	sst s9;
	s0 =	simm.s32 @!p0 $0x0  }
0x12: {  	s1 =	sld [smem:$0x3F8E];
	s0 =	simm.s32 @p0 $0x1  }
0x13: {  	[smem:$0x3FA9] =	sst s0;
	s0 =	simm.s32 @!p1 $0x0  }
0x14: {  	s2 =	sld [smem:$0x3F8D];
	s0 =	simm.s32 @p1 $0x1  }
0x15: {  	[smem:$0x3FAA] =	sst s0;
	s0 =	simm.s32 @!p2 $0x0  }
0x16: {  	s3 =	sld [smem:$0x3FDB];
	s0 =	simm.s32 @p2 $0x1  }
0x17: {  	s4 =	simm.s32 $0x1BF5;
	[smem:$0x3FAC] =	sst s0  }
0x18: {  	s0 =	sld [smem:$0x3F8F];
	_ =	swait.ge [sflag:s4], $0x0  }
0x19: {  	s7 =	sld [smem:$0x3F90]  }
0x1a: {  	s8 =	sadd.s32 $0xFFFFE003, lr  }
0x1b: {  	s9 =	sadd.s32 $0xFFFFFEF7, lr;
	s5 =	simm.s32 $0xFFFFFFFF;
	p2 =	slt.u32 s8, $0xFFFFF086  }
0x1c: {  	p1 =	slt.u32 s9, $0xF7A;
	s5 =	simm.s32 @!p2 $0x0  }
0x1d: {  	s5 =	simm.s32 @p1 $0x1;
	p0 =	seq.s32 s7, s2  }
0x1e: {  	s7 =	smul.u32 @!p0 $0xF7A, s2;
	p2 =	seq.s32 @!p0 s5, $0x0  }
0x1f: {  	s9 =	smul.u32 $0xF7A, s1;
	s8 =	simm.s32 @!p0 $0x1BF5;
	p2 =	por !p2, p0  }
0x20: {  	[sflag:s8] =	ssyncset.s32 @!p0 $0xFFFFF086;
	s6 =	sadd.s32 @!p0 s3, s7;
	s7 =	simm.s32 @!p0 $0x108  }
0x21: {  	s3 =	sadd.s32 s3, s9;
	s6 =	sadd.s32 @!p0 $0x88, s6;
	s7 =	simm.s32 @p2 $0x1082  }
0x22: {  	[simem:s7], [sflag:s8] =	dma.local @!p0 [hbm:s6], $0xF7A  }
0x23: {  	s9 =	sor.u32 $0xD0000000, s2;
	s6 =	simm.s32 $0x108;
	_ =	swait.ge @!p0 [sflag:s8], $0x0  }
0x24: {  	s3 =	sadd.s32 $0x88, s3;
	s6 =	simm.s32 @!p1 $0x1082;
	[sflag:s4] =	ssyncset.s32 $0xFFFFF086  }
0x25: {  	[simem:s6], [sflag:s4] =	dma.local [hbm:s3], $0xF7A  }
0x26: {  	[smem:$0x3F90] =	sst s1;
	(tag) =	ssettag s2;
	_ =	strace s9  }
0x27: {  	s1 =	sld [smem:$0x3FA0]  }
0x28: {  	s2 =	sld [smem:$0x3FA1]  }
0x29: {  	s4 =	sld [smem:$0x3FA3]  }
0x2a: {  	p0 =	seq.s32 s5, $0x0;
	s5 =	sld [smem:$0x3FA4]  }
0x2b: {  	s6 =	sld [smem:$0x3FA5]  }
0x2c: {  	s7 =	sld [smem:$0x3FA6]  }
0x2d: {  	s3 =	simm.s32 $0x108;
	s8 =	sld [smem:$0x3FA7]  }
0x2e: {  	s3 =	simm.s32 @!p0 $0x1082;
	s9 =	sld [smem:$0x3FA8]  }
0x2f: {  	lr =	sadd.s32 s0, s3;
	s0 =	sld [smem:$0x3F9F]  }
0x30: {  	s3 =	sld [smem:$0x3FA2]  }
0x31: {  	[smem:$0x3FAB] =	sst s10  }
0x32: {  	s10 =	sld [smem:$0x3FA9];
	_ =	sdelay $0x3  }
0x33: {  	p0 =	seq.s32 s10, $0x1;
	s10 =	sld [smem:$0x3FAB];
	_ =	sdelay $0x3  }
0x34: {  	[smem:$0x3FAB] =	sst s10  }
0x35: {  	s10 =	sld [smem:$0x3FAA];
	_ =	sdelay $0x3  }
0x36: {  	p1 =	seq.s32 s10, $0x1;
	s10 =	sld [smem:$0x3FAB];
	_ =	sdelay $0x3  }
0x37: {  	[smem:$0x3FAB] =	sst s10  }
0x38: {  	s10 =	sld [smem:$0x3FAC]  }
0x39: {  	_ = 	snop;
	(pc) =	sbr.ind lr, $3  }
0x3a: {  	_ = 	snop  }
0x3b: {  	_ = 	snop  }
0x3c: {  	p2 =	seq.s32 s10, $0x1;
	s10 =	sld [smem:$0x3FAB]  }
0x3d: {  	_ =	shalt  }
0x3e: {  	_ =	shalt  }
0x3f: {  	_ =	shalt  }
0x40: {  	_ =	shalt  }
0x41: {  	_ =	shalt  }
0x42: {  	_ =	shalt  }
0x43: {  	_ =	shalt  }
0x44: {  	_ =	shalt  }
0x45: {  	_ =	shalt  }
0x46: {  	_ =	shalt  }
0x47: {  	_ =	shalt  }
0x48: {  	_ =	shalt  }
0x49: {  	_ =	shalt  }
0x4a: {  	_ =	shalt  }
0x4b: {  	_ =	shalt  }
0x4c: {  	_ =	shalt  }
0x4d: {  	_ =	shalt  }
0x4e: {  	_ =	shalt  }
0x4f: {  	_ =	shalt  }
0x50: {  	_ =	shalt  }
0x51: {  	_ =	shalt  }
0x52: {  	_ =	shalt  }
0x53: {  	_ =	shalt  }
0x54: {  	_ =	shalt  }
0x55: {  	_ =	shalt  }
0x56: {  	_ =	shalt  }
0x57: {  	_ =	shalt  }
0x58: {  	_ =	shalt  }
0x59: {  	_ =	shalt  }
0x5a: {  	_ =	shalt  }
0x5b: {  	_ =	shalt  }
0x5c: {  	_ =	shalt  }
0x5d: {  	_ =	shalt  }
0x5e: {  	_ =	shalt  }
0x5f: {  	_ =	shalt  }
0x60: {  	_ =	shalt  }
0x61: {  	_ =	shalt  }
0x62: {  	_ =	shalt  }
0x63: {  	_ =	shalt  }
0x64: {  	_ =	shalt  }
0x65: {  	_ =	shalt  }
0x66: {  	_ =	shalt  }
0x67: {  	_ =	shalt  }
0x68: {  	_ =	shalt  }
0x69: {  	_ =	shalt  }
0x6a: {  	_ =	shalt  }
0x6b: {  	_ =	shalt  }
0x6c: {  	_ =	shalt  }
0x6d: {  	_ =	shalt  }
0x6e: {  	_ =	shalt  }
0x6f: {  	_ =	shalt  }
0x70: {  	_ =	shalt  }
0x71: {  	_ =	shalt  }
0x72: {  	_ =	shalt  }
0x73: {  	_ =	shalt  }
0x74: {  	_ =	shalt  }
0x75: {  	_ =	shalt  }
0x76: {  	_ =	shalt  }
0x77: {  	_ =	shalt  }
0x78: {  	_ =	shalt  }
0x79: {  	_ =	shalt  }
0x7a: {  	_ =	shalt  }
0x7b: {  	_ =	shalt  }
0x7c: {  	_ =	shalt  }
0x7d: {  	_ =	shalt  }
0x7e: {  	_ =	shalt  }
0x7f: {  	_ =	shalt  }
0x80: {  	_ =	shalt  }
0x81: {  	_ =	shalt  }
0x82: {  	_ =	shalt  }
0x83: {  	_ =	shalt  }
0x84: {  	_ =	shalt  }
0x85: {  	_ =	shalt  }
0x86: {  	_ =	shalt  }
0x87: {  	_ =	shalt  }
.Lfunc_end0:
.L_simem_size_0:
called_computation_lowered:
.L_overlay_start_0:
0x88: {  	s2 =	sld [smem:$0x3FD9]  }
0x89: {  	s3 =	sld [smem:$0x3FFE];
	_ =	sdelay $0x1  }
0x8a: {  	s1 =	srdreg.scid  }
0x8b: {  	s0 =	sand.u32 $0x1, s1  }
0x8c: {  	s17 =	sshll.u32 s0, $0xA;
	s2 =	sadd.s32 s3, s2  }
0x8d: {  	s2 =	sadd.s32 s2, s17  }
0x8e: {  	[smem:$0x3FB7] =	sst s2  }
0x8f: {  	_ = 	snop  }
0x90: {  	s2 =	sld [smem:$0x3FD0];
	(tm) =	ssettm $0x1  }
0x91: {  	s18 =	sld [smem:$0x3FFB];
	_ =	sdelay $0x3  }
0x92: {  	_ =	strace s18  }
0x93: {  	s3 =	sld [smem:$0x3FFC];
	_ =	sdelay $0x3  }
0x94: {  	_ =	strace s3  }
0x95: {  	s3 =	sld [smem:$0x3FFD];
	_ =	sdelay $0x3  }
0x96: {  	_ =	strace s3  }
0x97: {  	_ =	strace $0x8FFFFFFF  }
0x98: {  	s19 =	sld [smem:$0x3FDB];
	_ =	sdelay $0x1  }
0x99: {  	s4 =	simm.s32 $_scs_section_size  }
0x9a: {  	s5 =	simm.s32 $_size__tile_overlayer_lowered;
	s6 =	simm.s32 $_tile_overlayer_lowered  }
0x9b: {  	s22 =	simm.s32 $0x1BFF;
	s21 =	sshll.u32 s6, $0x1;
	s3 =	sadd.s32 s4, s19  }
0x9c: {  	s7 =	simm.s32 $0x0;
	s20 =	sshll.u32 s5, $0x1;
	s5 =	sadd.s32 s21, s3  }
0x9d: {  	[timem:s7], [sflag:s22] =	dma.local [hbm:s5], s20  }
0x9e: {  	_ =	swait.ge [sflag:s22], s20  }
0x9f: {  	s4 =	ssub.s32 $0x0, s20;
	[sflag:s22] =	ssyncset.done $0x0  }
0xa0: {  	[sflag:s22] =	ssyncadd.s32 s4;
	_ =	sdelay $0x1  }
0xa1: {  	s23 =	simm.s32 $0x1B8B  }
0xa2: {  	_ =	swait.ge [sflag:s23], $0x1  }
0xa3: {  	[sflag:s23] =	ssyncset.done $0x0  }
0xa4: {  	s25 =	simm.s32 $0x1B8E;
	s24 =	sld [smem:$0x3FFE];
	[sflag:s23] =	ssyncadd.s32 $0xFFFFFFFF  }
0xa5: {  	s26 =	simm.s32 $execute0_lowered;
	[smem:$0x3FD2] =	sst s25  }
0xa6: {  	s5 =	sshll.u32 s26, $0x1;
	_ =	strace $0x80000046;
	[dreg:$0x1] =	wrdreg $0xFFFFFFFF  }
0xa7: {  	s28 =	simm.s32 $_size_execute0_lowered;
	s3 =	sadd.s32 s3, s5;
	[dreg:$0x0] =	wrdreg $0x0  }
0xa8: {  	s5 =	sshll.u32 s28, $0x1;
	[dreg:$0x2] =	wrdreg s3  }
0xa9: {  	[dreg:$0x3] =	wrdreg s5  }
0xaa: {  	[dreg:$0x4] =	wrdreg $0xC0  }
0xab: {  	_ =	task [dreg:s7], $0x5FFFF  }
0xac: {  	[dreg:$0x1] =	wrdreg $0xFFFFFFFF  }
0xad: {  	[dreg:$0x0] =	wrdreg $0x60  }
0xae: {  	[dreg:$0x2] =	wrdreg s2  }
0xaf: {  	[dreg:$0x3] =	wrdreg s24  }
0xb0: {  	[dreg:$0x4] =	wrdreg $0x7F800  }
0xb1: {  	[dreg:$0x5] =	wrdreg $0x9  }
0xb2: {  	_ =	task.clear_ibuf [dreg:s7], $0x6FFFF;
	_ =	strace $0x90000046  }
0xb3: {  	s29 =	simm.s32 $0x9;
	_ =	strace $0x80000048  }
0xb4: {  	_ =	swait.ge [sflag:s29], $0x1  }
0xb5: {  	[sflag:s29] =	ssyncadd.s32 $0xFFFFFFFF  }
0xb6: {  	_ =	strace $0x90000048  }
0xb7: {  	_ =	sfence  }
0xb8: {  	s30 =	sld [smem:$0x0];
	_ =	sdelay $0x2  }
0xb9: {  	s31 =	sshll.u32 s1, $0xD;
	s1 =	sshrl.u32 s1, $0x2  }
0xba: {  	s3 =	sand.u32 $0x4000, s31;
	s1 =	sadd.s32 s1, s30  }
0xbb: {  	s0 =	sor.u32 s3, s0;
	s1 =	sshll.u32 s1, $0x11  }
0xbc: {  	s0 =	sor.u32 s1, s0  }
0xbd: {  	s0 =	sadd.s32 $0x8F2B, s0  }
0xbe: {  	[sflag:s0] =	ssyncadd.remote.s32 $0x1  }
0xbf: {  	_ =	sfence.sel $0xFFFF  }
0xc0: {  	[dreg:$0x0] =	wrdreg $0xFFFFFFFF;
	(pc) =	sbr.abs _section_cstart, $3  }
0xc1: {  	[dreg:$0x1] =	wrdreg $0xFFFFFFFF  }
0xc2: {  	_ =	task.clear_ibuf [dreg:s7], $0x2FFFF;
	_ =	strace $0x9FFFFFFF  }
0xc3: {  	(tm) =	ssettm $0x7FFFFFFF  }
tec
execute0_lowered:
.L_overlay_start_1:
0x0: {  	(tag) =	ssettag $0x1  }
0x1: {  	s1 =	rddreg [dreg:$0x0]  }
0x2: {  	s0 =	srdreg.scid;
	s6 =	rddreg [dreg:$0x1]  }
0x3: {  	s3 =	rddreg [dreg:$0x2];
	s4 =	simm.s32 $0x0;
	s14 =	simm.s32 $0x80  }
0x4: {  	s15 =	simm.s32 $0x5000;
	s16 =	simm.s32 $0x1;
	s17 =	simm.s32 $0x0  }
0x5: {  	s5 =	sand.u32 $0x1, s0;
	s0 =	stileid.u32;
	[smem:$0x7FF] =	sst s4  }
0x6: {  	s2 =	sshll.u32 s5, $0x4;
	s9 =	smul.u32 $0x27800, s5;
	s5 =	ssub.s32 $0x2, s5  }
0x7: {  	s8 =	smul.u32 $0x2780, s0;
	s2 =	sor.u32 s0, s2;
	s31 =	sshrl.u32 s5, $0x1  }
0x8: {  	s7 =	smul.u32 $0x500, s2;
	s2 =	rddreg [dreg:$0x3];
	_ =	strace $0x80000047  }
0x9: {  	s30 =	sadd.s32 s8, s9;
	s11 =	sshrl.u32 s8, $0x3;
	s13 =	ssub.s32 s5, s31  }
0xa: {  	s5 =	sadd.s32 s1, s11;
	s10 =	sadd.s32 s7, s6;
	s7 =	sshrl.u32 s30, $0x3  }
0xb: {  	s11 =	simm.s32 $0x5800;
	s12 =	sadd.s32 s7, s6;
	s6 =	sadd.s32 s8, s3  }
0xc: {  	s7 =	sadd.s32 $0xE200, s10;
	s8 =	sadd.s32 $0x4200, s10;
	s10 =	smax.u32 s13, $0x1  }
0xd: {  	s13 =	simm.s32 $0x2800;
	s9 =	sadd.s32 $0x18200, s12;
	s12 =	simm.s32 $0x2  }
.LBB2_1:
0xe: {  	[tilespmem:s11], [sflag:$0x2] =	stream.linear.gather [hbm4b:s5+s4], $0x2780, $0x38;
	[tilespmem:$0xA700] =	vst v63  }
0xf: {  	_ =	swait.ge [sflag:s12], $0x2780  }
0x10: {  	[sflag:s12] =	ssyncset.done $0x0  }
0x11: {  	[sflag:s12] =	ssyncadd.s32 $0xFFFFD880  }
0x12: {  	[spmem:s6] =	stream.linear.scatter [tilespmem:s11], [sflag:$0x2], $0x2780, $0x38;
	[tilespmem:$0xA700] =	vst v63  }
0x13: {  	_ =	swait.ge [sflag:s12], $0x2780  }
0x14: {  	[sflag:s12] =	ssyncset.done $0x0  }
0x15: {  	[sflag:s12] =	ssyncadd.s32 $0xFFFFD880  }
0x16: {  	[tilespmem:s4], [sflag:$0x2] =	stream.linear.gather [hbm4b:s7+s4], $0x2800, $0x38;
	[tilespmem:$0xA700] =	vst v63  }
0x17: {  	_ =	swait.ge [sflag:s12], $0x2800  }
0x18: {  	[sflag:s12] =	ssyncset.done $0x0  }
0x19: {  	[sflag:s12] =	ssyncadd.s32 $0xFFFFD800  }
0x1a: {  	[tilespmem:s13], [sflag:$0x2] =	stream.linear.gather [hbm4b:s8+s4], $0x2800, $0x38;
	[tilespmem:$0xA700] =	vst v63  }
0x1b: {  	_ =	swait.ge [sflag:s12], $0x2800  }
0x1c: {  	[sflag:s12] =	ssyncset.done $0x0  }
0x1d: {  	[sflag:s12] =	ssyncadd.s32 $0xFFFFD800  }
0x1e: {  	s18 =	simm.s32 $0x0;
	[bflag:$0x0] =	sbarrier.arrive $0xFFFF  }
0x1f: {  	[tilespmem:s15], [sflag:$0x1] =	stream.indirect.gather [hbm4b:s1+s14], $0x10, s18, s14, $0xb8;
	[tilespmem:$0xA700] =	vst v63  }
0x20: {  	_ =	swait.ge [sflag:s16], $0x800  }
0x21: {  	[sflag:s16] =	ssyncset.done $0x0  }
0x22: {  	s31 =	simm.s32 $0x2800;
	[sflag:s16] =	ssyncadd.s32 $0xFFFFF800  }
0x23: {  	[spmem:s3] =	stream.indirect.scatter.add.f32 [tilespmem:s15], [sflag:$0x2], $0x10, s31, s14, $0xb8;
	[tilespmem:$0xA700] =	vst v63  }
0x24: {  	_ =	swait.ge [sflag:s12], $0x800  }
0x25: {  	s19 =	simm.s32 $0x400;
	s18 =	simm.s32 $0x200;
	[sflag:s12] =	ssyncset.done $0x0  }
.LBB2_2:
0x26: {  	s20 =	sshra.s32 s18, $0x2  }
0x27: {  	[sflag:s12] =	ssyncadd.s32 $0xFFFFF800;
	s18 =	smov.u32 s19;
	s21 =	sadd.s32 $0x200, s19  }
0x28: {  	[tilespmem:s15], [sflag:$0x1] =	stream.indirect.gather [hbm4b:s1+s14], $0x10, s20, s14, $0xb8;
	[tilespmem:$0xA700] =	vst v63  }
0x29: {  	p0 =	sne.s32 s19, $0x9E00;
	_ =	swait.ge [sflag:s16], $0x800  }
.Ltmp0:
0x2a: {  	[sflag:s16] =	ssyncset.done $0x0;
	(pc) =	sbr.rel @p0 .LBB2_2-.Ltmp0, $4  }
0x2b: {  	s19 =	sadd.s32 $0x2800, s20;
	[sflag:s16] =	ssyncadd.s32 $0xFFFFF800  }
0x2c: {  	[spmem:s3] =	stream.indirect.scatter.add.f32 [tilespmem:s15], [sflag:$0x2], $0x10, s19, s14, $0xb8;
	[tilespmem:$0xA700] =	vst v63  }
0x2d: {  	_ =	swait.ge [sflag:s12], $0x800  }
0x2e: {  	s19 =	smov.u32 s21;
	[sflag:s12] =	ssyncset.done $0x0  }
0x2f: {  	s18 =	sshra.s32 s18, $0x2;
	[sflag:s12] =	ssyncadd.s32 $0xFFFFF800  }
0x30: {  	[tilespmem:s15], [sflag:$0x1] =	stream.indirect.gather [hbm4b:s1+s14], $0x10, s18, s14, $0xb8;
	[tilespmem:$0xA700] =	vst v63  }
0x31: {  	_ =	swait.ge [sflag:s16], $0x800  }
0x32: {  	[sflag:s16] =	ssyncset.done $0x0  }
0x33: {  	s18 =	sadd.s32 $0x2800, s18;
	[sflag:s16] =	ssyncadd.s32 $0xFFFFF800  }
0x34: {  	[spmem:s3] =	stream.indirect.scatter.add.f32 [tilespmem:s15], [sflag:$0x2], $0x10, s18, s14, $0xb8;
	[tilespmem:$0xA700] =	vst v63  }
0x35: {  	_ =	swait.ge [sflag:s12], $0x800  }
0x36: {  	[sflag:s12] =	ssyncset.done $0x0  }
0x37: {  	[sflag:s12] =	ssyncadd.s32 $0xFFFFF800  }
0x38: {  	[bflag:$0x0] =	sbarrier.arrive $0xFFFF  }
0x39: {  	[tilespmem:s11], [sflag:$0x2] =	stream.linear.gather [spmem:s6], $0x2780, $0x38;
	[tilespmem:$0xA700] =	vst v63  }
0x3a: {  	s17 =	sadd.s32 $0x1, s17;
	_ =	swait.ge [sflag:s12], $0x2780  }
0x3b: {  	p0 =	sne.s32 s17, s10;
	[sflag:s12] =	ssyncset.done $0x0  }
.Ltmp1:
0x3c: {  	[sflag:s12] =	ssyncadd.s32 $0xFFFFD880;
	(pc) =	sbr.rel @p0 .LBB2_1-.Ltmp1, $4  }
0x3d: {  	[hbm4b:s9+s4] =	stream.linear.scatter [tilespmem:s11], [sflag:$0x2], $0x2780, $0x38;
	[tilespmem:$0xA700] =	vst v63  }
0x3e: {  	_ =	swait.ge [sflag:s12], $0x2780  }
0x3f: {  	[sflag:s12] =	ssyncset.done $0x0  }
0x40: {  	[sflag:s12] =	ssyncadd.s32 $0xFFFFD880  }
0x41: {  	_ =	sfence.sel $0x180000  }
0x42: {  	[bflag:$0x0] =	sbarrier.arrive $0xFFFF  }
0x43: {  	p0 =	sne.s32 s0, $0x0;
	_ =	strace $0x90000047  }
0x44: {  	s0 =	sadd.s32 @!p0 $0x100000, s2;
	[bflag:$0x2] =	sbarrier.arrive $0xFFFF  }
0x45: {  	[sflag:s0] =	ssyncadd.tile.s32 @!p0 $0x1;
	_ =	shalt  }
.Lfunc_end2:
_tile_overlayer_lowered:
.L_overlay_start_2:
0x46: {  	(tag) =	ssettag $0x2  }
0x47: {  	s0 =	rddreg [dreg:$0x0];
	s2 =	stileid.u32  }
0x48: {  	s1 =	rddreg [dreg:$0x1];
	p0 =	sne.s32 s2, $0x0  }
0x49: {  	s3 =	rddreg [dreg:$0x2];
	[bflag:$0x3] =	sbarrier.arrive $0xFFFF;
	s2 =	simm.s32 @!p0 $0x1C02  }
0x4a: {  	[timem:s3], [sflag:s2] =	dma.local @!p0 [hbm:s0], s1  }
0x4b: {  	s0 =	simm.s32 @!p0 $0x2  }
0x4c: {  	_ =	swait.ge @!p0 [sflag:s0], s1  }
0x4d: {  	s1 =	ssub.s32 @!p0 $0x0, s1;
	[sflag:s0] =	ssyncset.done @!p0 $0x0  }
0x4e: {  	[sflag:s0] =	ssyncadd.s32 @!p0 s1  }
0x4f: {  	[bflag:$0x3] =	sbarrier.arrive $0xFFFF  }
0x50: {  	_ =	shalt  }

// kernel: kernel.13.cloned.1.call-start
scs
__scs_entry_jumppad:
0x0: {  	(pc) =	sbr.rel $0x88, $3  }
0x1: {  	(tag) =	ssettag $0x0;
	lr =	simm.s32 $0x1  }
0x2: {  	[smem:$0x3F90] =	sst lr;
	_ =	strace $0xD0000000  }
0x3: {  	_ = 	snop  }
0x4: {  	_ = 	snop  }
0x5: {  	_ = 	snop  }
0x6: {  	_ = 	snop  }
0x7: {  	_ = 	snop  }
__scs_overlays_trampoline_lowered:
0x8: {  	[smem:$0x3F9F] =	sst s0  }
0x9: {  	[smem:$0x3FA0] =	sst s1  }
0xa: {  	[smem:$0x3FA1] =	sst s2  }
0xb: {  	[smem:$0x3FA2] =	sst s3  }
0xc: {  	[smem:$0x3FA3] =	sst s4  }
0xd: {  	[smem:$0x3FA4] =	sst s5  }
0xe: {  	[smem:$0x3FA5] =	sst s6  }
0xf: {  	[smem:$0x3FA6] =	sst s7  }
0x10: {  	[smem:$0x3FA7] =	sst s8  }
0x11: {  	[smem:$0x3FA8] =	sst s9;
	s0 =	simm.s32 @!p0 $0x0  }
0x12: {  	s1 =	sld [smem:$0x3F8E];
	s0 =	simm.s32 @p0 $0x1  }
0x13: {  	[smem:$0x3FA9] =	sst s0;
	s0 =	simm.s32 @!p1 $0x0  }
0x14: {  	s2 =	sld [smem:$0x3F8D];
	s0 =	simm.s32 @p1 $0x1  }
0x15: {  	[smem:$0x3FAA] =	sst s0;
	s0 =	simm.s32 @!p2 $0x0  }
0x16: {  	s3 =	sld [smem:$0x3FDB];
	s0 =	simm.s32 @p2 $0x1  }
0x17: {  	s4 =	simm.s32 $0x1BF5;
	[smem:$0x3FAC] =	sst s0  }
0x18: {  	s0 =	sld [smem:$0x3F8F];
	_ =	swait.ge [sflag:s4], $0x0  }
0x19: {  	s7 =	sld [smem:$0x3F90]  }
0x1a: {  	s8 =	sadd.s32 $0xFFFFE003, lr  }
0x1b: {  	s9 =	sadd.s32 $0xFFFFFEF7, lr;
	s5 =	simm.s32 $0xFFFFFFFF;
	p2 =	slt.u32 s8, $0xFFFFF086  }
0x1c: {  	p1 =	slt.u32 s9, $0xF7A;
	s5 =	simm.s32 @!p2 $0x0  }
0x1d: {  	s5 =	simm.s32 @p1 $0x1;
	p0 =	seq.s32 s7, s2  }
0x1e: {  	s7 =	smul.u32 @!p0 $0xF7A, s2;
	p2 =	seq.s32 @!p0 s5, $0x0  }
0x1f: {  	s9 =	smul.u32 $0xF7A, s1;
	s8 =	simm.s32 @!p0 $0x1BF5;
	p2 =	por !p2, p0  }
0x20: {  	[sflag:s8] =	ssyncset.s32 @!p0 $0xFFFFF086;
	s6 =	sadd.s32 @!p0 s3, s7;
	s7 =	simm.s32 @!p0 $0x108  }
0x21: {  	s3 =	sadd.s32 s3, s9;
	s6 =	sadd.s32 @!p0 $0x88, s6;
	s7 =	simm.s32 @p2 $0x1082  }
0x22: {  	[simem:s7], [sflag:s8] =	dma.local @!p0 [hbm:s6], $0xF7A  }
0x23: {  	s9 =	sor.u32 $0xD0000000, s2;
	s6 =	simm.s32 $0x108;
	_ =	swait.ge @!p0 [sflag:s8], $0x0  }
0x24: {  	s3 =	sadd.s32 $0x88, s3;
	s6 =	simm.s32 @!p1 $0x1082;
	[sflag:s4] =	ssyncset.s32 $0xFFFFF086  }
0x25: {  	[simem:s6], [sflag:s4] =	dma.local [hbm:s3], $0xF7A  }
0x26: {  	[smem:$0x3F90] =	sst s1;
	(tag) =	ssettag s2;
	_ =	strace s9  }
0x27: {  	s1 =	sld [smem:$0x3FA0]  }
0x28: {  	s2 =	sld [smem:$0x3FA1]  }
0x29: {  	s4 =	sld [smem:$0x3FA3]  }
0x2a: {  	p0 =	seq.s32 s5, $0x0;
	s5 =	sld [smem:$0x3FA4]  }
0x2b: {  	s6 =	sld [smem:$0x3FA5]  }
0x2c: {  	s7 =	sld [smem:$0x3FA6]  }
0x2d: {  	s3 =	simm.s32 $0x108;
	s8 =	sld [smem:$0x3FA7]  }
0x2e: {  	s3 =	simm.s32 @!p0 $0x1082;
	s9 =	sld [smem:$0x3FA8]  }
0x2f: {  	lr =	sadd.s32 s0, s3;
	s0 =	sld [smem:$0x3F9F]  }
0x30: {  	s3 =	sld [smem:$0x3FA2]  }
0x31: {  	[smem:$0x3FAB] =	sst s10  }
0x32: {  	s10 =	sld [smem:$0x3FA9];
	_ =	sdelay $0x3  }
0x33: {  	p0 =	seq.s32 s10, $0x1;
	s10 =	sld [smem:$0x3FAB];
	_ =	sdelay $0x3  }
0x34: {  	[smem:$0x3FAB] =	sst s10  }
0x35: {  	s10 =	sld [smem:$0x3FAA];
	_ =	sdelay $0x3  }
0x36: {  	p1 =	seq.s32 s10, $0x1;
	s10 =	sld [smem:$0x3FAB];
	_ =	sdelay $0x3  }
0x37: {  	[smem:$0x3FAB] =	sst s10  }
0x38: {  	s10 =	sld [smem:$0x3FAC]  }
0x39: {  	_ = 	snop;
	(pc) =	sbr.ind lr, $3  }
0x3a: {  	_ = 	snop  }
0x3b: {  	_ = 	snop  }
0x3c: {  	p2 =	seq.s32 s10, $0x1;
	s10 =	sld [smem:$0x3FAB]  }
0x3d: {  	_ =	shalt  }
0x3e: {  	_ =	shalt  }
0x3f: {  	_ =	shalt  }
0x40: {  	_ =	shalt  }
0x41: {  	_ =	shalt  }
0x42: {  	_ =	shalt  }
0x43: {  	_ =	shalt  }
0x44: {  	_ =	shalt  }
0x45: {  	_ =	shalt  }
0x46: {  	_ =	shalt  }
0x47: {  	_ =	shalt  }
0x48: {  	_ =	shalt  }
0x49: {  	_ =	shalt  }
0x4a: {  	_ =	shalt  }
0x4b: {  	_ =	shalt  }
0x4c: {  	_ =	shalt  }
0x4d: {  	_ =	shalt  }
0x4e: {  	_ =	shalt  }
0x4f: {  	_ =	shalt  }
0x50: {  	_ =	shalt  }
0x51: {  	_ =	shalt  }
0x52: {  	_ =	shalt  }
0x53: {  	_ =	shalt  }
0x54: {  	_ =	shalt  }
0x55: {  	_ =	shalt  }
0x56: {  	_ =	shalt  }
0x57: {  	_ =	shalt  }
0x58: {  	_ =	shalt  }
0x59: {  	_ =	shalt  }
0x5a: {  	_ =	shalt  }
0x5b: {  	_ =	shalt  }
0x5c: {  	_ =	shalt  }
0x5d: {  	_ =	shalt  }
0x5e: {  	_ =	shalt  }
0x5f: {  	_ =	shalt  }
0x60: {  	_ =	shalt  }
0x61: {  	_ =	shalt  }
0x62: {  	_ =	shalt  }
0x63: {  	_ =	shalt  }
0x64: {  	_ =	shalt  }
0x65: {  	_ =	shalt  }
0x66: {  	_ =	shalt  }
0x67: {  	_ =	shalt  }
0x68: {  	_ =	shalt  }
0x69: {  	_ =	shalt  }
0x6a: {  	_ =	shalt  }
0x6b: {  	_ =	shalt  }
0x6c: {  	_ =	shalt  }
0x6d: {  	_ =	shalt  }
0x6e: {  	_ =	shalt  }
0x6f: {  	_ =	shalt  }
0x70: {  	_ =	shalt  }
0x71: {  	_ =	shalt  }
0x72: {  	_ =	shalt  }
0x73: {  	_ =	shalt  }
0x74: {  	_ =	shalt  }
0x75: {  	_ =	shalt  }
0x76: {  	_ =	shalt  }
0x77: {  	_ =	shalt  }
0x78: {  	_ =	shalt  }
0x79: {  	_ =	shalt  }
0x7a: {  	_ =	shalt  }
0x7b: {  	_ =	shalt  }
0x7c: {  	_ =	shalt  }
0x7d: {  	_ =	shalt  }
0x7e: {  	_ =	shalt  }
0x7f: {  	_ =	shalt  }
0x80: {  	_ =	shalt  }
0x81: {  	_ =	shalt  }
0x82: {  	_ =	shalt  }
0x83: {  	_ =	shalt  }
0x84: {  	_ =	shalt  }
0x85: {  	_ =	shalt  }
0x86: {  	_ =	shalt  }
0x87: {  	_ =	shalt  }
.Lfunc_end0:
.L_simem_size_0:
called_computation.1_lowered:
.L_overlay_start_0:
0x88: {  	s2 =	sld [smem:$0x3FD9]  }
0x89: {  	s3 =	sld [smem:$0x3FFE];
	_ =	sdelay $0x1  }
0x8a: {  	s1 =	srdreg.scid  }
0x8b: {  	s0 =	sand.u32 $0x1, s1  }
0x8c: {  	s17 =	sshll.u32 s0, $0xA;
	s2 =	sadd.s32 s3, s2  }
0x8d: {  	s2 =	sadd.s32 s2, s17  }
0x8e: {  	[smem:$0x3FB7] =	sst s2  }
0x8f: {  	_ = 	snop  }
0x90: {  	s2 =	sld [smem:$0x3FD0];
	(tm) =	ssettm $0x1  }
0x91: {  	s18 =	sld [smem:$0x3FFB];
	_ =	sdelay $0x3  }
0x92: {  	_ =	strace s18  }
0x93: {  	s3 =	sld [smem:$0x3FFC];
	_ =	sdelay $0x3  }
0x94: {  	_ =	strace s3  }
0x95: {  	s3 =	sld [smem:$0x3FFD];
	_ =	sdelay $0x3  }
0x96: {  	_ =	strace s3  }
0x97: {  	_ =	strace $0x8FFFFFFF  }
0x98: {  	s19 =	sld [smem:$0x3FDB];
	_ =	sdelay $0x1  }
0x99: {  	s4 =	simm.s32 $_scs_section_size  }
0x9a: {  	s5 =	simm.s32 $_size__tile_overlayer_lowered;
	s6 =	simm.s32 $_tile_overlayer_lowered  }
0x9b: {  	s22 =	simm.s32 $0x1BFF;
	s21 =	sshll.u32 s6, $0x1;
	s3 =	sadd.s32 s4, s19  }
0x9c: {  	s7 =	simm.s32 $0x0;
	s20 =	sshll.u32 s5, $0x1;
	s5 =	sadd.s32 s21, s3  }
0x9d: {  	[timem:s7], [sflag:s22] =	dma.local [hbm:s5], s20  }
0x9e: {  	_ =	swait.ge [sflag:s22], s20  }
0x9f: {  	s4 =	ssub.s32 $0x0, s20;
	[sflag:s22] =	ssyncset.done $0x0  }
0xa0: {  	[sflag:s22] =	ssyncadd.s32 s4;
	_ =	sdelay $0x1  }
0xa1: {  	s23 =	simm.s32 $0x1B8B  }
0xa2: {  	_ =	swait.ge [sflag:s23], $0x1  }
0xa3: {  	[sflag:s23] =	ssyncset.done $0x0  }
0xa4: {  	s25 =	simm.s32 $0x1B8E;
	s24 =	sld [smem:$0x3FFE];
	[sflag:s23] =	ssyncadd.s32 $0xFFFFFFFF  }
0xa5: {  	s26 =	simm.s32 $execute0_lowered;
	[smem:$0x3FD2] =	sst s25  }
0xa6: {  	s5 =	sshll.u32 s26, $0x1;
	_ =	strace $0x80000049;
	[dreg:$0x1] =	wrdreg $0xFFFFFFFF  }
0xa7: {  	s28 =	simm.s32 $_size_execute0_lowered;
	s3 =	sadd.s32 s3, s5;
	[dreg:$0x0] =	wrdreg $0x0  }
0xa8: {  	s5 =	sshll.u32 s28, $0x1;
	[dreg:$0x2] =	wrdreg s3  }
0xa9: {  	[dreg:$0x3] =	wrdreg s5  }
0xaa: {  	[dreg:$0x4] =	wrdreg $0xC0  }
0xab: {  	_ =	task [dreg:s7], $0x5FFFF  }
0xac: {  	[dreg:$0x1] =	wrdreg $0xFFFFFFFF  }
0xad: {  	[dreg:$0x0] =	wrdreg $0x60  }
0xae: {  	[dreg:$0x2] =	wrdreg s2  }
0xaf: {  	[dreg:$0x3] =	wrdreg s24  }
0xb0: {  	[dreg:$0x4] =	wrdreg $0x7F800  }
0xb1: {  	[dreg:$0x5] =	wrdreg $0x9  }
0xb2: {  	_ =	task.clear_ibuf [dreg:s7], $0x6FFFF;
	_ =	strace $0x90000049  }
0xb3: {  	s29 =	simm.s32 $0x9;
	_ =	strace $0x8000004B  }
0xb4: {  	_ =	swait.ge [sflag:s29], $0x1  }
0xb5: {  	[sflag:s29] =	ssyncadd.s32 $0xFFFFFFFF  }
0xb6: {  	_ =	strace $0x9000004B  }
0xb7: {  	_ =	sfence  }
0xb8: {  	s30 =	sld [smem:$0x0];
	_ =	sdelay $0x2  }
0xb9: {  	s31 =	sshll.u32 s1, $0xD;
	s1 =	sshrl.u32 s1, $0x2  }
0xba: {  	s3 =	sand.u32 $0x4000, s31;
	s1 =	sadd.s32 s1, s30  }
0xbb: {  	s0 =	sor.u32 s3, s0;
	s1 =	sshll.u32 s1, $0x11  }
0xbc: {  	s0 =	sor.u32 s1, s0  }
0xbd: {  	s0 =	sadd.s32 $0x8F2B, s0  }
0xbe: {  	[sflag:s0] =	ssyncadd.remote.s32 $0x1  }
0xbf: {  	_ =	sfence.sel $0xFFFF  }
0xc0: {  	[dreg:$0x0] =	wrdreg $0xFFFFFFFF;
	(pc) =	sbr.abs _section_cstart, $3  }
0xc1: {  	[dreg:$0x1] =	wrdreg $0xFFFFFFFF  }
0xc2: {  	_ =	task.clear_ibuf [dreg:s7], $0x2FFFF;
	_ =	strace $0x9FFFFFFF  }
0xc3: {  	(tm) =	ssettm $0x7FFFFFFF  }
tec
execute0_lowered:
.L_overlay_start_1:
0x0: {  	(tag) =	ssettag $0x1  }
0x1: {  	s1 =	rddreg [dreg:$0x0]  }
0x2: {  	s0 =	srdreg.scid;
	s6 =	rddreg [dreg:$0x1]  }
0x3: {  	s3 =	rddreg [dreg:$0x2];
	s4 =	simm.s32 $0x0;
	s14 =	simm.s32 $0x80  }
0x4: {  	s15 =	simm.s32 $0x5000;
	s16 =	simm.s32 $0x1;
	s17 =	simm.s32 $0x0  }
0x5: {  	s5 =	sand.u32 $0x1, s0;
	s0 =	stileid.u32;
	[smem:$0x7FF] =	sst s4  }
0x6: {  	s2 =	sshll.u32 s5, $0x4;
	s9 =	smul.u32 $0x27800, s5;
	s5 =	ssub.s32 $0x2, s5  }
0x7: {  	s8 =	smul.u32 $0x2780, s0;
	s2 =	sor.u32 s0, s2;
	s31 =	sshrl.u32 s5, $0x1  }
0x8: {  	s7 =	smul.u32 $0x500, s2;
	s2 =	rddreg [dreg:$0x3];
	_ =	strace $0x8000004A  }
0x9: {  	s30 =	sadd.s32 s8, s9;
	s11 =	sshrl.u32 s8, $0x3;
	s13 =	ssub.s32 s5, s31  }
0xa: {  	s5 =	sadd.s32 s1, s11;
	s10 =	sadd.s32 s7, s6;
	s7 =	sshrl.u32 s30, $0x3  }
0xb: {  	s11 =	simm.s32 $0x5800;
	s12 =	sadd.s32 s7, s6;
	s6 =	sadd.s32 s8, s3  }
0xc: {  	s7 =	sadd.s32 $0xE200, s10;
	s8 =	sadd.s32 $0x4200, s10;
	s10 =	smax.u32 s13, $0x1  }
0xd: {  	s13 =	simm.s32 $0x2800;
	s9 =	sadd.s32 $0x66600, s12;
	s12 =	simm.s32 $0x2  }
.LBB2_1:
0xe: {  	[tilespmem:s11], [sflag:$0x2] =	stream.linear.gather [hbm4b:s5+s4], $0x2780, $0x38;
	[tilespmem:$0xA700] =	vst v63  }
0xf: {  	_ =	swait.ge [sflag:s12], $0x2780  }
0x10: {  	[sflag:s12] =	ssyncset.done $0x0  }
0x11: {  	[sflag:s12] =	ssyncadd.s32 $0xFFFFD880  }
0x12: {  	[spmem:s6] =	stream.linear.scatter [tilespmem:s11], [sflag:$0x2], $0x2780, $0x38;
	[tilespmem:$0xA700] =	vst v63  }
0x13: {  	_ =	swait.ge [sflag:s12], $0x2780  }
0x14: {  	[sflag:s12] =	ssyncset.done $0x0  }
0x15: {  	[sflag:s12] =	ssyncadd.s32 $0xFFFFD880  }
0x16: {  	[tilespmem:s4], [sflag:$0x2] =	stream.linear.gather [hbm4b:s7+s4], $0x2800, $0x38;
	[tilespmem:$0xA700] =	vst v63  }
0x17: {  	_ =	swait.ge [sflag:s12], $0x2800  }
0x18: {  	[sflag:s12] =	ssyncset.done $0x0  }
0x19: {  	[sflag:s12] =	ssyncadd.s32 $0xFFFFD800  }
0x1a: {  	[tilespmem:s13], [sflag:$0x2] =	stream.linear.gather [hbm4b:s8+s4], $0x2800, $0x38;
	[tilespmem:$0xA700] =	vst v63  }
0x1b: {  	_ =	swait.ge [sflag:s12], $0x2800  }
0x1c: {  	[sflag:s12] =	ssyncset.done $0x0  }
0x1d: {  	[sflag:s12] =	ssyncadd.s32 $0xFFFFD800  }
0x1e: {  	s18 =	simm.s32 $0x0;
	[bflag:$0x0] =	sbarrier.arrive $0xFFFF  }
0x1f: {  	[tilespmem:s15], [sflag:$0x1] =	stream.indirect.gather [hbm4b:s1+s14], $0x10, s18, s14, $0xb8;
	[tilespmem:$0xA700] =	vst v63  }
0x20: {  	_ =	swait.ge [sflag:s16], $0x800  }
0x21: {  	[sflag:s16] =	ssyncset.done $0x0  }
0x22: {  	s31 =	simm.s32 $0x2800;
	[sflag:s16] =	ssyncadd.s32 $0xFFFFF800  }
0x23: {  	[spmem:s3] =	stream.indirect.scatter.add.f32 [tilespmem:s15], [sflag:$0x2], $0x10, s31, s14, $0xb8;
	[tilespmem:$0xA700] =	vst v63  }
0x24: {  	_ =	swait.ge [sflag:s12], $0x800  }
0x25: {  	s19 =	simm.s32 $0x400;
	s18 =	simm.s32 $0x200;
	[sflag:s12] =	ssyncset.done $0x0  }
.LBB2_2:
0x26: {  	s20 =	sshra.s32 s18, $0x2  }
0x27: {  	[sflag:s12] =	ssyncadd.s32 $0xFFFFF800;
	s18 =	smov.u32 s19;
	s21 =	sadd.s32 $0x200, s19  }
0x28: {  	[tilespmem:s15], [sflag:$0x1] =	stream.indirect.gather [hbm4b:s1+s14], $0x10, s20, s14, $0xb8;
	[tilespmem:$0xA700] =	vst v63  }
0x29: {  	p0 =	sne.s32 s19, $0x9E00;
	_ =	swait.ge [sflag:s16], $0x800  }
.Ltmp0:
0x2a: {  	[sflag:s16] =	ssyncset.done $0x0;
	(pc) =	sbr.rel @p0 .LBB2_2-.Ltmp0, $4  }
0x2b: {  	s19 =	sadd.s32 $0x2800, s20;
	[sflag:s16] =	ssyncadd.s32 $0xFFFFF800  }
0x2c: {  	[spmem:s3] =	stream.indirect.scatter.add.f32 [tilespmem:s15], [sflag:$0x2], $0x10, s19, s14, $0xb8;
	[tilespmem:$0xA700] =	vst v63  }
0x2d: {  	_ =	swait.ge [sflag:s12], $0x800  }
0x2e: {  	s19 =	smov.u32 s21;
	[sflag:s12] =	ssyncset.done $0x0  }
0x2f: {  	s18 =	sshra.s32 s18, $0x2;
	[sflag:s12] =	ssyncadd.s32 $0xFFFFF800  }
0x30: {  	[tilespmem:s15], [sflag:$0x1] =	stream.indirect.gather [hbm4b:s1+s14], $0x10, s18, s14, $0xb8;
	[tilespmem:$0xA700] =	vst v63  }
0x31: {  	_ =	swait.ge [sflag:s16], $0x800  }
0x32: {  	[sflag:s16] =	ssyncset.done $0x0  }
0x33: {  	s18 =	sadd.s32 $0x2800, s18;
	[sflag:s16] =	ssyncadd.s32 $0xFFFFF800  }
0x34: {  	[spmem:s3] =	stream.indirect.scatter.add.f32 [tilespmem:s15], [sflag:$0x2], $0x10, s18, s14, $0xb8;
	[tilespmem:$0xA700] =	vst v63  }
0x35: {  	_ =	swait.ge [sflag:s12], $0x800  }
0x36: {  	[sflag:s12] =	ssyncset.done $0x0  }
0x37: {  	[sflag:s12] =	ssyncadd.s32 $0xFFFFF800  }
0x38: {  	[bflag:$0x0] =	sbarrier.arrive $0xFFFF  }
0x39: {  	[tilespmem:s11], [sflag:$0x2] =	stream.linear.gather [spmem:s6], $0x2780, $0x38;
	[tilespmem:$0xA700] =	vst v63  }
0x3a: {  	s17 =	sadd.s32 $0x1, s17;
	_ =	swait.ge [sflag:s12], $0x2780  }
0x3b: {  	p0 =	sne.s32 s17, s10;
	[sflag:s12] =	ssyncset.done $0x0  }
.Ltmp1:
0x3c: {  	[sflag:s12] =	ssyncadd.s32 $0xFFFFD880;
	(pc) =	sbr.rel @p0 .LBB2_1-.Ltmp1, $4  }
0x3d: {  	[hbm4b:s9+s4] =	stream.linear.scatter [tilespmem:s11], [sflag:$0x2], $0x2780, $0x38;
	[tilespmem:$0xA700] =	vst v63  }
0x3e: {  	_ =	swait.ge [sflag:s12], $0x2780  }
0x3f: {  	[sflag:s12] =	ssyncset.done $0x0  }
0x40: {  	[sflag:s12] =	ssyncadd.s32 $0xFFFFD880  }
0x41: {  	_ =	sfence.sel $0x180000  }
0x42: {  	[bflag:$0x0] =	sbarrier.arrive $0xFFFF  }
0x43: {  	p0 =	sne.s32 s0, $0x0;
	_ =	strace $0x9000004A  }
0x44: {  	s0 =	sadd.s32 @!p0 $0x100000, s2;
	[bflag:$0x2] =	sbarrier.arrive $0xFFFF  }
0x45: {  	[sflag:s0] =	ssyncadd.tile.s32 @!p0 $0x1;
	_ =	shalt  }
.Lfunc_end2:
_tile_overlayer_lowered:
.L_overlay_start_2:
0x46: {  	(tag) =	ssettag $0x2  }
0x47: {  	s0 =	rddreg [dreg:$0x0];
	s2 =	stileid.u32  }
0x48: {  	s1 =	rddreg [dreg:$0x1];
	p0 =	sne.s32 s2, $0x0  }
0x49: {  	s3 =	rddreg [dreg:$0x2];
	[bflag:$0x3] =	sbarrier.arrive $0xFFFF;
	s2 =	simm.s32 @!p0 $0x1C02  }
0x4a: {  	[timem:s3], [sflag:s2] =	dma.local @!p0 [hbm:s0], s1  }
0x4b: {  	s0 =	simm.s32 @!p0 $0x2  }
0x4c: {  	_ =	swait.ge @!p0 [sflag:s0], s1  }
0x4d: {  	s1 =	ssub.s32 @!p0 $0x0, s1;
	[sflag:s0] =	ssyncset.done @!p0 $0x0  }
0x4e: {  	[sflag:s0] =	ssyncadd.s32 @!p0 s1  }
0x4f: {  	[bflag:$0x3] =	sbarrier.arrive $0xFFFF  }
0x50: {  	_ =	shalt  }

// kernel: kernel.16.cloned.1.call-start
scs
__scs_entry_jumppad:
0x0: {  	(pc) =	sbr.rel $0x88, $3  }
0x1: {  	(tag) =	ssettag $0x0;
	lr =	simm.s32 $0x1  }
0x2: {  	[smem:$0x3F90] =	sst lr;
	_ =	strace $0xD0000000  }
0x3: {  	_ = 	snop  }
0x4: {  	_ = 	snop  }
0x5: {  	_ = 	snop  }
0x6: {  	_ = 	snop  }
0x7: {  	_ = 	snop  }
__scs_overlays_trampoline_lowered:
0x8: {  	[smem:$0x3F9F] =	sst s0  }
0x9: {  	[smem:$0x3FA0] =	sst s1  }
0xa: {  	[smem:$0x3FA1] =	sst s2  }
0xb: {  	[smem:$0x3FA2] =	sst s3  }
0xc: {  	[smem:$0x3FA3] =	sst s4  }
0xd: {  	[smem:$0x3FA4] =	sst s5  }
0xe: {  	[smem:$0x3FA5] =	sst s6  }
0xf: {  	[smem:$0x3FA6] =	sst s7  }
0x10: {  	[smem:$0x3FA7] =	sst s8  }
0x11: {  	[smem:$0x3FA8] =	sst s9;
	s0 =	simm.s32 @!p0 $0x0  }
0x12: {  	s1 =	sld [smem:$0x3F8E];
	s0 =	simm.s32 @p0 $0x1  }
0x13: {  	[smem:$0x3FA9] =	sst s0;
	s0 =	simm.s32 @!p1 $0x0  }
0x14: {  	s2 =	sld [smem:$0x3F8D];
	s0 =	simm.s32 @p1 $0x1  }
0x15: {  	[smem:$0x3FAA] =	sst s0;
	s0 =	simm.s32 @!p2 $0x0  }
0x16: {  	s3 =	sld [smem:$0x3FDB];
	s0 =	simm.s32 @p2 $0x1  }
0x17: {  	s4 =	simm.s32 $0x1BF5;
	[smem:$0x3FAC] =	sst s0  }
0x18: {  	s0 =	sld [smem:$0x3F8F];
	_ =	swait.ge [sflag:s4], $0x0  }
0x19: {  	s7 =	sld [smem:$0x3F90]  }
0x1a: {  	s8 =	sadd.s32 $0xFFFFE003, lr  }
0x1b: {  	s9 =	sadd.s32 $0xFFFFFEF7, lr;
	s5 =	simm.s32 $0xFFFFFFFF;
	p2 =	slt.u32 s8, $0xFFFFF086  }
0x1c: {  	p1 =	slt.u32 s9, $0xF7A;
	s5 =	simm.s32 @!p2 $0x0  }
0x1d: {  	s5 =	simm.s32 @p1 $0x1;
	p0 =	seq.s32 s7, s2  }
0x1e: {  	s7 =	smul.u32 @!p0 $0xF7A, s2;
	p2 =	seq.s32 @!p0 s5, $0x0  }
0x1f: {  	s9 =	smul.u32 $0xF7A, s1;
	s8 =	simm.s32 @!p0 $0x1BF5;
	p2 =	por !p2, p0  }
0x20: {  	[sflag:s8] =	ssyncset.s32 @!p0 $0xFFFFF086;
	s6 =	sadd.s32 @!p0 s3, s7;
	s7 =	simm.s32 @!p0 $0x108  }
0x21: {  	s3 =	sadd.s32 s3, s9;
	s6 =	sadd.s32 @!p0 $0x88, s6;
	s7 =	simm.s32 @p2 $0x1082  }
0x22: {  	[simem:s7], [sflag:s8] =	dma.local @!p0 [hbm:s6], $0xF7A  }
0x23: {  	s9 =	sor.u32 $0xD0000000, s2;
	s6 =	simm.s32 $0x108;
	_ =	swait.ge @!p0 [sflag:s8], $0x0  }
0x24: {  	s3 =	sadd.s32 $0x88, s3;
	s6 =	simm.s32 @!p1 $0x1082;
	[sflag:s4] =	ssyncset.s32 $0xFFFFF086  }
0x25: {  	[simem:s6], [sflag:s4] =	dma.local [hbm:s3], $0xF7A  }
0x26: {  	[smem:$0x3F90] =	sst s1;
	(tag) =	ssettag s2;
	_ =	strace s9  }
0x27: {  	s1 =	sld [smem:$0x3FA0]  }
0x28: {  	s2 =	sld [smem:$0x3FA1]  }
0x29: {  	s4 =	sld [smem:$0x3FA3]  }
0x2a: {  	p0 =	seq.s32 s5, $0x0;
	s5 =	sld [smem:$0x3FA4]  }
0x2b: {  	s6 =	sld [smem:$0x3FA5]  }
0x2c: {  	s7 =	sld [smem:$0x3FA6]  }
0x2d: {  	s3 =	simm.s32 $0x108;
	s8 =	sld [smem:$0x3FA7]  }
0x2e: {  	s3 =	simm.s32 @!p0 $0x1082;
	s9 =	sld [smem:$0x3FA8]  }
0x2f: {  	lr =	sadd.s32 s0, s3;
	s0 =	sld [smem:$0x3F9F]  }
0x30: {  	s3 =	sld [smem:$0x3FA2]  }
0x31: {  	[smem:$0x3FAB] =	sst s10  }
0x32: {  	s10 =	sld [smem:$0x3FA9];
	_ =	sdelay $0x3  }
0x33: {  	p0 =	seq.s32 s10, $0x1;
	s10 =	sld [smem:$0x3FAB];
	_ =	sdelay $0x3  }
0x34: {  	[smem:$0x3FAB] =	sst s10  }
0x35: {  	s10 =	sld [smem:$0x3FAA];
	_ =	sdelay $0x3  }
0x36: {  	p1 =	seq.s32 s10, $0x1;
	s10 =	sld [smem:$0x3FAB];
	_ =	sdelay $0x3  }
0x37: {  	[smem:$0x3FAB] =	sst s10  }
0x38: {  	s10 =	sld [smem:$0x3FAC]  }
0x39: {  	_ = 	snop;
	(pc) =	sbr.ind lr, $3  }
0x3a: {  	_ = 	snop  }
0x3b: {  	_ = 	snop  }
0x3c: {  	p2 =	seq.s32 s10, $0x1;
	s10 =	sld [smem:$0x3FAB]  }
0x3d: {  	_ =	shalt  }
0x3e: {  	_ =	shalt  }
0x3f: {  	_ =	shalt  }
0x40: {  	_ =	shalt  }
0x41: {  	_ =	shalt  }
0x42: {  	_ =	shalt  }
0x43: {  	_ =	shalt  }
0x44: {  	_ =	shalt  }
0x45: {  	_ =	shalt  }
0x46: {  	_ =	shalt  }
0x47: {  	_ =	shalt  }
0x48: {  	_ =	shalt  }
0x49: {  	_ =	shalt  }
0x4a: {  	_ =	shalt  }
0x4b: {  	_ =	shalt  }
0x4c: {  	_ =	shalt  }
0x4d: {  	_ =	shalt  }
0x4e: {  	_ =	shalt  }
0x4f: {  	_ =	shalt  }
0x50: {  	_ =	shalt  }
0x51: {  	_ =	shalt  }
0x52: {  	_ =	shalt  }
0x53: {  	_ =	shalt  }
0x54: {  	_ =	shalt  }
0x55: {  	_ =	shalt  }
0x56: {  	_ =	shalt  }
0x57: {  	_ =	shalt  }
0x58: {  	_ =	shalt  }
0x59: {  	_ =	shalt  }
0x5a: {  	_ =	shalt  }
0x5b: {  	_ =	shalt  }
0x5c: {  	_ =	shalt  }
0x5d: {  	_ =	shalt  }
0x5e: {  	_ =	shalt  }
0x5f: {  	_ =	shalt  }
0x60: {  	_ =	shalt  }
0x61: {  	_ =	shalt  }
0x62: {  	_ =	shalt  }
0x63: {  	_ =	shalt  }
0x64: {  	_ =	shalt  }
0x65: {  	_ =	shalt  }
0x66: {  	_ =	shalt  }
0x67: {  	_ =	shalt  }
0x68: {  	_ =	shalt  }
0x69: {  	_ =	shalt  }
0x6a: {  	_ =	shalt  }
0x6b: {  	_ =	shalt  }
0x6c: {  	_ =	shalt  }
0x6d: {  	_ =	shalt  }
0x6e: {  	_ =	shalt  }
0x6f: {  	_ =	shalt  }
0x70: {  	_ =	shalt  }
0x71: {  	_ =	shalt  }
0x72: {  	_ =	shalt  }
0x73: {  	_ =	shalt  }
0x74: {  	_ =	shalt  }
0x75: {  	_ =	shalt  }
0x76: {  	_ =	shalt  }
0x77: {  	_ =	shalt  }
0x78: {  	_ =	shalt  }
0x79: {  	_ =	shalt  }
0x7a: {  	_ =	shalt  }
0x7b: {  	_ =	shalt  }
0x7c: {  	_ =	shalt  }
0x7d: {  	_ =	shalt  }
0x7e: {  	_ =	shalt  }
0x7f: {  	_ =	shalt  }
0x80: {  	_ =	shalt  }
0x81: {  	_ =	shalt  }
0x82: {  	_ =	shalt  }
0x83: {  	_ =	shalt  }
0x84: {  	_ =	shalt  }
0x85: {  	_ =	shalt  }
0x86: {  	_ =	shalt  }
0x87: {  	_ =	shalt  }
.Lfunc_end0:
.L_simem_size_0:
called_computation.2_lowered:
.L_overlay_start_0:
0x88: {  	s2 =	sld [smem:$0x3FD9]  }
0x89: {  	s3 =	sld [smem:$0x3FFE];
	_ =	sdelay $0x1  }
0x8a: {  	s1 =	srdreg.scid  }
0x8b: {  	s0 =	sand.u32 $0x1, s1  }
0x8c: {  	s17 =	sshll.u32 s0, $0xA;
	s2 =	sadd.s32 s3, s2  }
0x8d: {  	s2 =	sadd.s32 s2, s17  }
0x8e: {  	[smem:$0x3FB7] =	sst s2  }
0x8f: {  	_ = 	snop  }
0x90: {  	s2 =	sld [smem:$0x3FD0];
	(tm) =	ssettm $0x1  }
0x91: {  	s18 =	sld [smem:$0x3FFB];
	_ =	sdelay $0x3  }
0x92: {  	_ =	strace s18  }
0x93: {  	s3 =	sld [smem:$0x3FFC];
	_ =	sdelay $0x3  }
0x94: {  	_ =	strace s3  }
0x95: {  	s3 =	sld [smem:$0x3FFD];
	_ =	sdelay $0x3  }
0x96: {  	_ =	strace s3  }
0x97: {  	_ =	strace $0x8FFFFFFF  }
0x98: {  	s19 =	sld [smem:$0x3FDB];
	_ =	sdelay $0x1  }
0x99: {  	s4 =	simm.s32 $_scs_section_size  }
0x9a: {  	s5 =	simm.s32 $_size__tile_overlayer_lowered;
	s6 =	simm.s32 $_tile_overlayer_lowered  }
0x9b: {  	s22 =	simm.s32 $0x1BFF;
	s21 =	sshll.u32 s6, $0x1;
	s3 =	sadd.s32 s4, s19  }
0x9c: {  	s7 =	simm.s32 $0x0;
	s20 =	sshll.u32 s5, $0x1;
	s5 =	sadd.s32 s21, s3  }
0x9d: {  	[timem:s7], [sflag:s22] =	dma.local [hbm:s5], s20  }
0x9e: {  	_ =	swait.ge [sflag:s22], s20  }
0x9f: {  	s4 =	ssub.s32 $0x0, s20;
	[sflag:s22] =	ssyncset.done $0x0  }
0xa0: {  	[sflag:s22] =	ssyncadd.s32 s4;
	_ =	sdelay $0x1  }
0xa1: {  	s23 =	simm.s32 $0x1B8B  }
0xa2: {  	_ =	swait.ge [sflag:s23], $0x1  }
0xa3: {  	[sflag:s23] =	ssyncset.done $0x0  }
0xa4: {  	s25 =	simm.s32 $0x1B8E;
	s24 =	sld [smem:$0x3FFE];
	[sflag:s23] =	ssyncadd.s32 $0xFFFFFFFF  }
0xa5: {  	s26 =	simm.s32 $execute0_lowered;
	[smem:$0x3FD2] =	sst s25  }
0xa6: {  	s5 =	sshll.u32 s26, $0x1;
	_ =	strace $0x8000004C;
	[dreg:$0x1] =	wrdreg $0xFFFFFFFF  }
0xa7: {  	s28 =	simm.s32 $_size_execute0_lowered;
	s3 =	sadd.s32 s3, s5;
	[dreg:$0x0] =	wrdreg $0x0  }
0xa8: {  	s5 =	sshll.u32 s28, $0x1;
	[dreg:$0x2] =	wrdreg s3  }
0xa9: {  	[dreg:$0x3] =	wrdreg s5  }
0xaa: {  	[dreg:$0x4] =	wrdreg $0xC0  }
0xab: {  	_ =	task [dreg:s7], $0x5FFFF  }
0xac: {  	[dreg:$0x1] =	wrdreg $0xFFFFFFFF  }
0xad: {  	[dreg:$0x0] =	wrdreg $0x60  }
0xae: {  	[dreg:$0x2] =	wrdreg s2  }
0xaf: {  	[dreg:$0x3] =	wrdreg s24  }
0xb0: {  	[dreg:$0x4] =	wrdreg $0x7F800  }
0xb1: {  	[dreg:$0x5] =	wrdreg $0x9  }
0xb2: {  	_ =	task.clear_ibuf [dreg:s7], $0x6FFFF;
	_ =	strace $0x9000004C  }
0xb3: {  	s29 =	simm.s32 $0x9;
	_ =	strace $0x8000004E  }
0xb4: {  	_ =	swait.ge [sflag:s29], $0x1  }
0xb5: {  	[sflag:s29] =	ssyncadd.s32 $0xFFFFFFFF  }
0xb6: {  	_ =	strace $0x9000004E  }
0xb7: {  	_ =	sfence  }
0xb8: {  	s30 =	sld [smem:$0x0];
	_ =	sdelay $0x2  }
0xb9: {  	s31 =	sshll.u32 s1, $0xD;
	s1 =	sshrl.u32 s1, $0x2  }
0xba: {  	s3 =	sand.u32 $0x4000, s31;
	s1 =	sadd.s32 s1, s30  }
0xbb: {  	s0 =	sor.u32 s3, s0;
	s1 =	sshll.u32 s1, $0x11  }
0xbc: {  	s0 =	sor.u32 s1, s0  }
0xbd: {  	s0 =	sadd.s32 $0x8F2B, s0  }
0xbe: {  	[sflag:s0] =	ssyncadd.remote.s32 $0x1  }
0xbf: {  	_ =	sfence.sel $0xFFFF  }
0xc0: {  	[dreg:$0x0] =	wrdreg $0xFFFFFFFF;
	(pc) =	sbr.abs _section_cstart, $3  }
0xc1: {  	[dreg:$0x1] =	wrdreg $0xFFFFFFFF  }
0xc2: {  	_ =	task.clear_ibuf [dreg:s7], $0x2FFFF;
	_ =	strace $0x9FFFFFFF  }
0xc3: {  	(tm) =	ssettm $0x7FFFFFFF  }
tec
execute0_lowered:
.L_overlay_start_1:
0x0: {  	(tag) =	ssettag $0x1  }
0x1: {  	s1 =	rddreg [dreg:$0x0]  }
0x2: {  	s0 =	srdreg.scid;
	s6 =	rddreg [dreg:$0x1]  }
0x3: {  	s3 =	rddreg [dreg:$0x2];
	s4 =	simm.s32 $0x0;
	s14 =	simm.s32 $0x80  }
0x4: {  	s15 =	simm.s32 $0x5000;
	s16 =	simm.s32 $0x1;
	s17 =	simm.s32 $0x0  }
0x5: {  	s5 =	sand.u32 $0x1, s0;
	s0 =	stileid.u32;
	[smem:$0x7FF] =	sst s4  }
0x6: {  	s2 =	sshll.u32 s5, $0x4;
	s9 =	smul.u32 $0x27800, s5;
	s5 =	ssub.s32 $0x2, s5  }
0x7: {  	s8 =	smul.u32 $0x2780, s0;
	s2 =	sor.u32 s0, s2;
	s31 =	sshrl.u32 s5, $0x1  }
0x8: {  	s7 =	smul.u32 $0x500, s2;
	s2 =	rddreg [dreg:$0x3];
	_ =	strace $0x8000004D  }
0x9: {  	s30 =	sadd.s32 s8, s9;
	s11 =	sshrl.u32 s8, $0x3;
	s13 =	ssub.s32 s5, s31  }
0xa: {  	s5 =	sadd.s32 s1, s11;
	s10 =	sadd.s32 s7, s6;
	s7 =	sshrl.u32 s30, $0x3  }
0xb: {  	s11 =	simm.s32 $0x5800;
	s12 =	sadd.s32 s7, s6;
	s6 =	sadd.s32 s8, s3  }
0xc: {  	s7 =	sadd.s32 $0xE200, s10;
	s8 =	sadd.s32 $0x4200, s10;
	s10 =	smax.u32 s13, $0x1  }
0xd: {  	s13 =	simm.s32 $0x2800;
	s9 =	sadd.s32 $0x66600, s12;
	s12 =	simm.s32 $0x2  }
.LBB2_1:
0xe: {  	[tilespmem:s11], [sflag:$0x2] =	stream.linear.gather [hbm4b:s5+s4], $0x2780, $0x38;
	[tilespmem:$0xA700] =	vst v63  }
0xf: {  	_ =	swait.ge [sflag:s12], $0x2780  }
0x10: {  	[sflag:s12] =	ssyncset.done $0x0  }
0x11: {  	[sflag:s12] =	ssyncadd.s32 $0xFFFFD880  }
0x12: {  	[spmem:s6] =	stream.linear.scatter [tilespmem:s11], [sflag:$0x2], $0x2780, $0x38;
	[tilespmem:$0xA700] =	vst v63  }
0x13: {  	_ =	swait.ge [sflag:s12], $0x2780  }
0x14: {  	[sflag:s12] =	ssyncset.done $0x0  }
0x15: {  	[sflag:s12] =	ssyncadd.s32 $0xFFFFD880  }
0x16: {  	[tilespmem:s4], [sflag:$0x2] =	stream.linear.gather [hbm4b:s7+s4], $0x2800, $0x38;
	[tilespmem:$0xA700] =	vst v63  }
0x17: {  	_ =	swait.ge [sflag:s12], $0x2800  }
0x18: {  	[sflag:s12] =	ssyncset.done $0x0  }
0x19: {  	[sflag:s12] =	ssyncadd.s32 $0xFFFFD800  }
0x1a: {  	[tilespmem:s13], [sflag:$0x2] =	stream.linear.gather [hbm4b:s8+s4], $0x2800, $0x38;
	[tilespmem:$0xA700] =	vst v63  }
0x1b: {  	_ =	swait.ge [sflag:s12], $0x2800  }
0x1c: {  	[sflag:s12] =	ssyncset.done $0x0  }
0x1d: {  	[sflag:s12] =	ssyncadd.s32 $0xFFFFD800  }
0x1e: {  	s18 =	simm.s32 $0x0;
	[bflag:$0x0] =	sbarrier.arrive $0xFFFF  }
0x1f: {  	[tilespmem:s15], [sflag:$0x1] =	stream.indirect.gather [hbm4b:s1+s14], $0x10, s18, s14, $0xb8;
	[tilespmem:$0xA700] =	vst v63  }
0x20: {  	_ =	swait.ge [sflag:s16], $0x800  }
0x21: {  	[sflag:s16] =	ssyncset.done $0x0  }
0x22: {  	s31 =	simm.s32 $0x2800;
	[sflag:s16] =	ssyncadd.s32 $0xFFFFF800  }
0x23: {  	[spmem:s3] =	stream.indirect.scatter.add.f32 [tilespmem:s15], [sflag:$0x2], $0x10, s31, s14, $0xb8;
	[tilespmem:$0xA700] =	vst v63  }
0x24: {  	_ =	swait.ge [sflag:s12], $0x800  }
0x25: {  	s19 =	simm.s32 $0x400;
	s18 =	simm.s32 $0x200;
	[sflag:s12] =	ssyncset.done $0x0  }
.LBB2_2:
0x26: {  	s20 =	sshra.s32 s18, $0x2  }
0x27: {  	[sflag:s12] =	ssyncadd.s32 $0xFFFFF800;
	s18 =	smov.u32 s19;
	s21 =	sadd.s32 $0x200, s19  }
0x28: {  	[tilespmem:s15], [sflag:$0x1] =	stream.indirect.gather [hbm4b:s1+s14], $0x10, s20, s14, $0xb8;
	[tilespmem:$0xA700] =	vst v63  }
0x29: {  	p0 =	sne.s32 s19, $0x9E00;
	_ =	swait.ge [sflag:s16], $0x800  }
.Ltmp0:
0x2a: {  	[sflag:s16] =	ssyncset.done $0x0;
	(pc) =	sbr.rel @p0 .LBB2_2-.Ltmp0, $4  }
0x2b: {  	s19 =	sadd.s32 $0x2800, s20;
	[sflag:s16] =	ssyncadd.s32 $0xFFFFF800  }
0x2c: {  	[spmem:s3] =	stream.indirect.scatter.add.f32 [tilespmem:s15], [sflag:$0x2], $0x10, s19, s14, $0xb8;
	[tilespmem:$0xA700] =	vst v63  }
0x2d: {  	_ =	swait.ge [sflag:s12], $0x800  }
0x2e: {  	s19 =	smov.u32 s21;
	[sflag:s12] =	ssyncset.done $0x0  }
0x2f: {  	s18 =	sshra.s32 s18, $0x2;
	[sflag:s12] =	ssyncadd.s32 $0xFFFFF800  }
0x30: {  	[tilespmem:s15], [sflag:$0x1] =	stream.indirect.gather [hbm4b:s1+s14], $0x10, s18, s14, $0xb8;
	[tilespmem:$0xA700] =	vst v63  }
0x31: {  	_ =	swait.ge [sflag:s16], $0x800  }
0x32: {  	[sflag:s16] =	ssyncset.done $0x0  }
0x33: {  	s18 =	sadd.s32 $0x2800, s18;
	[sflag:s16] =	ssyncadd.s32 $0xFFFFF800  }
0x34: {  	[spmem:s3] =	stream.indirect.scatter.add.f32 [tilespmem:s15], [sflag:$0x2], $0x10, s18, s14, $0xb8;
	[tilespmem:$0xA700] =	vst v63  }
0x35: {  	_ =	swait.ge [sflag:s12], $0x800  }
0x36: {  	[sflag:s12] =	ssyncset.done $0x0  }
0x37: {  	[sflag:s12] =	ssyncadd.s32 $0xFFFFF800  }
0x38: {  	[bflag:$0x0] =	sbarrier.arrive $0xFFFF  }
0x39: {  	[tilespmem:s11], [sflag:$0x2] =	stream.linear.gather [spmem:s6], $0x2780, $0x38;
	[tilespmem:$0xA700] =	vst v63  }
0x3a: {  	s17 =	sadd.s32 $0x1, s17;
	_ =	swait.ge [sflag:s12], $0x2780  }
0x3b: {  	p0 =	sne.s32 s17, s10;
	[sflag:s12] =	ssyncset.done $0x0  }
.Ltmp1:
0x3c: {  	[sflag:s12] =	ssyncadd.s32 $0xFFFFD880;
	(pc) =	sbr.rel @p0 .LBB2_1-.Ltmp1, $4  }
0x3d: {  	[hbm4b:s9+s4] =	stream.linear.scatter [tilespmem:s11], [sflag:$0x2], $0x2780, $0x38;
	[tilespmem:$0xA700] =	vst v63  }
0x3e: {  	_ =	swait.ge [sflag:s12], $0x2780  }
0x3f: {  	[sflag:s12] =	ssyncset.done $0x0  }
0x40: {  	[sflag:s12] =	ssyncadd.s32 $0xFFFFD880  }
0x41: {  	_ =	sfence.sel $0x180000  }
0x42: {  	[bflag:$0x0] =	sbarrier.arrive $0xFFFF  }
0x43: {  	p0 =	sne.s32 s0, $0x0;
	_ =	strace $0x9000004D  }
0x44: {  	s0 =	sadd.s32 @!p0 $0x100000, s2;
	[bflag:$0x2] =	sbarrier.arrive $0xFFFF  }
0x45: {  	[sflag:s0] =	ssyncadd.tile.s32 @!p0 $0x1;
	_ =	shalt  }
.Lfunc_end2:
_tile_overlayer_lowered:
.L_overlay_start_2:
0x46: {  	(tag) =	ssettag $0x2  }
0x47: {  	s0 =	rddreg [dreg:$0x0];
	s2 =	stileid.u32  }
0x48: {  	s1 =	rddreg [dreg:$0x1];
	p0 =	sne.s32 s2, $0x0  }
0x49: {  	s3 =	rddreg [dreg:$0x2];
	[bflag:$0x3] =	sbarrier.arrive $0xFFFF;
	s2 =	simm.s32 @!p0 $0x1C02  }
0x4a: {  	[timem:s3], [sflag:s2] =	dma.local @!p0 [hbm:s0], s1  }
0x4b: {  	s0 =	simm.s32 @!p0 $0x2  }
0x4c: {  	_ =	swait.ge @!p0 [sflag:s0], s1  }
0x4d: {  	s1 =	ssub.s32 @!p0 $0x0, s1;
	[sflag:s0] =	ssyncset.done @!p0 $0x0  }
0x4e: {  	[sflag:s0] =	ssyncadd.s32 @!p0 s1  }
0x4f: {  	[bflag:$0x3] =	sbarrier.arrive $0xFFFF  }
0x50: {  	_ =	shalt  }

// kernel: kernel.19.cloned.1.call-start
scs
__scs_entry_jumppad:
0x0: {  	(pc) =	sbr.rel $0x88, $3  }
0x1: {  	(tag) =	ssettag $0x0;
	lr =	simm.s32 $0x1  }
0x2: {  	[smem:$0x3F90] =	sst lr;
	_ =	strace $0xD0000000  }
0x3: {  	_ = 	snop  }
0x4: {  	_ = 	snop  }
0x5: {  	_ = 	snop  }
0x6: {  	_ = 	snop  }
0x7: {  	_ = 	snop  }
__scs_overlays_trampoline_lowered:
0x8: {  	[smem:$0x3F9F] =	sst s0  }
0x9: {  	[smem:$0x3FA0] =	sst s1  }
0xa: {  	[smem:$0x3FA1] =	sst s2  }
0xb: {  	[smem:$0x3FA2] =	sst s3  }
0xc: {  	[smem:$0x3FA3] =	sst s4  }
0xd: {  	[smem:$0x3FA4] =	sst s5  }
0xe: {  	[smem:$0x3FA5] =	sst s6  }
0xf: {  	[smem:$0x3FA6] =	sst s7  }
0x10: {  	[smem:$0x3FA7] =	sst s8  }
0x11: {  	[smem:$0x3FA8] =	sst s9;
	s0 =	simm.s32 @!p0 $0x0  }
0x12: {  	s1 =	sld [smem:$0x3F8E];
	s0 =	simm.s32 @p0 $0x1  }
0x13: {  	[smem:$0x3FA9] =	sst s0;
	s0 =	simm.s32 @!p1 $0x0  }
0x14: {  	s2 =	sld [smem:$0x3F8D];
	s0 =	simm.s32 @p1 $0x1  }
0x15: {  	[smem:$0x3FAA] =	sst s0;
	s0 =	simm.s32 @!p2 $0x0  }
0x16: {  	s3 =	sld [smem:$0x3FDB];
	s0 =	simm.s32 @p2 $0x1  }
0x17: {  	s4 =	simm.s32 $0x1BF5;
	[smem:$0x3FAC] =	sst s0  }
0x18: {  	s0 =	sld [smem:$0x3F8F];
	_ =	swait.ge [sflag:s4], $0x0  }
0x19: {  	s7 =	sld [smem:$0x3F90]  }
0x1a: {  	s8 =	sadd.s32 $0xFFFFE003, lr  }
0x1b: {  	s9 =	sadd.s32 $0xFFFFFEF7, lr;
	s5 =	simm.s32 $0xFFFFFFFF;
	p2 =	slt.u32 s8, $0xFFFFF086  }
0x1c: {  	p1 =	slt.u32 s9, $0xF7A;
	s5 =	simm.s32 @!p2 $0x0  }
0x1d: {  	s5 =	simm.s32 @p1 $0x1;
	p0 =	seq.s32 s7, s2  }
0x1e: {  	s7 =	smul.u32 @!p0 $0xF7A, s2;
	p2 =	seq.s32 @!p0 s5, $0x0  }
0x1f: {  	s9 =	smul.u32 $0xF7A, s1;
	s8 =	simm.s32 @!p0 $0x1BF5;
	p2 =	por !p2, p0  }
0x20: {  	[sflag:s8] =	ssyncset.s32 @!p0 $0xFFFFF086;
	s6 =	sadd.s32 @!p0 s3, s7;
	s7 =	simm.s32 @!p0 $0x108  }
0x21: {  	s3 =	sadd.s32 s3, s9;
	s6 =	sadd.s32 @!p0 $0x88, s6;
	s7 =	simm.s32 @p2 $0x1082  }
0x22: {  	[simem:s7], [sflag:s8] =	dma.local @!p0 [hbm:s6], $0xF7A  }
0x23: {  	s9 =	sor.u32 $0xD0000000, s2;
	s6 =	simm.s32 $0x108;
	_ =	swait.ge @!p0 [sflag:s8], $0x0  }
0x24: {  	s3 =	sadd.s32 $0x88, s3;
	s6 =	simm.s32 @!p1 $0x1082;
	[sflag:s4] =	ssyncset.s32 $0xFFFFF086  }
0x25: {  	[simem:s6], [sflag:s4] =	dma.local [hbm:s3], $0xF7A  }
0x26: {  	[smem:$0x3F90] =	sst s1;
	(tag) =	ssettag s2;
	_ =	strace s9  }
0x27: {  	s1 =	sld [smem:$0x3FA0]  }
0x28: {  	s2 =	sld [smem:$0x3FA1]  }
0x29: {  	s4 =	sld [smem:$0x3FA3]  }
0x2a: {  	p0 =	seq.s32 s5, $0x0;
	s5 =	sld [smem:$0x3FA4]  }
0x2b: {  	s6 =	sld [smem:$0x3FA5]  }
0x2c: {  	s7 =	sld [smem:$0x3FA6]  }
0x2d: {  	s3 =	simm.s32 $0x108;
	s8 =	sld [smem:$0x3FA7]  }
0x2e: {  	s3 =	simm.s32 @!p0 $0x1082;
	s9 =	sld [smem:$0x3FA8]  }
0x2f: {  	lr =	sadd.s32 s0, s3;
	s0 =	sld [smem:$0x3F9F]  }
0x30: {  	s3 =	sld [smem:$0x3FA2]  }
0x31: {  	[smem:$0x3FAB] =	sst s10  }
0x32: {  	s10 =	sld [smem:$0x3FA9];
	_ =	sdelay $0x3  }
0x33: {  	p0 =	seq.s32 s10, $0x1;
	s10 =	sld [smem:$0x3FAB];
	_ =	sdelay $0x3  }
0x34: {  	[smem:$0x3FAB] =	sst s10  }
0x35: {  	s10 =	sld [smem:$0x3FAA];
	_ =	sdelay $0x3  }
0x36: {  	p1 =	seq.s32 s10, $0x1;
	s10 =	sld [smem:$0x3FAB];
	_ =	sdelay $0x3  }
0x37: {  	[smem:$0x3FAB] =	sst s10  }
0x38: {  	s10 =	sld [smem:$0x3FAC]  }
0x39: {  	_ = 	snop;
	(pc) =	sbr.ind lr, $3  }
0x3a: {  	_ = 	snop  }
0x3b: {  	_ = 	snop  }
0x3c: {  	p2 =	seq.s32 s10, $0x1;
	s10 =	sld [smem:$0x3FAB]  }
0x3d: {  	_ =	shalt  }
0x3e: {  	_ =	shalt  }
0x3f: {  	_ =	shalt  }
0x40: {  	_ =	shalt  }
0x41: {  	_ =	shalt  }
0x42: {  	_ =	shalt  }
0x43: {  	_ =	shalt  }
0x44: {  	_ =	shalt  }
0x45: {  	_ =	shalt  }
0x46: {  	_ =	shalt  }
0x47: {  	_ =	shalt  }
0x48: {  	_ =	shalt  }
0x49: {  	_ =	shalt  }
0x4a: {  	_ =	shalt  }
0x4b: {  	_ =	shalt  }
0x4c: {  	_ =	shalt  }
0x4d: {  	_ =	shalt  }
0x4e: {  	_ =	shalt  }
0x4f: {  	_ =	shalt  }
0x50: {  	_ =	shalt  }
0x51: {  	_ =	shalt  }
0x52: {  	_ =	shalt  }
0x53: {  	_ =	shalt  }
0x54: {  	_ =	shalt  }
0x55: {  	_ =	shalt  }
0x56: {  	_ =	shalt  }
0x57: {  	_ =	shalt  }
0x58: {  	_ =	shalt  }
0x59: {  	_ =	shalt  }
0x5a: {  	_ =	shalt  }
0x5b: {  	_ =	shalt  }
0x5c: {  	_ =	shalt  }
0x5d: {  	_ =	shalt  }
0x5e: {  	_ =	shalt  }
0x5f: {  	_ =	shalt  }
0x60: {  	_ =	shalt  }
0x61: {  	_ =	shalt  }
0x62: {  	_ =	shalt  }
0x63: {  	_ =	shalt  }
0x64: {  	_ =	shalt  }
0x65: {  	_ =	shalt  }
0x66: {  	_ =	shalt  }
0x67: {  	_ =	shalt  }
0x68: {  	_ =	shalt  }
0x69: {  	_ =	shalt  }
0x6a: {  	_ =	shalt  }
0x6b: {  	_ =	shalt  }
0x6c: {  	_ =	shalt  }
0x6d: {  	_ =	shalt  }
0x6e: {  	_ =	shalt  }
0x6f: {  	_ =	shalt  }
0x70: {  	_ =	shalt  }
0x71: {  	_ =	shalt  }
0x72: {  	_ =	shalt  }
0x73: {  	_ =	shalt  }
0x74: {  	_ =	shalt  }
0x75: {  	_ =	shalt  }
0x76: {  	_ =	shalt  }
0x77: {  	_ =	shalt  }
0x78: {  	_ =	shalt  }
0x79: {  	_ =	shalt  }
0x7a: {  	_ =	shalt  }
0x7b: {  	_ =	shalt  }
0x7c: {  	_ =	shalt  }
0x7d: {  	_ =	shalt  }
0x7e: {  	_ =	shalt  }
0x7f: {  	_ =	shalt  }
0x80: {  	_ =	shalt  }
0x81: {  	_ =	shalt  }
0x82: {  	_ =	shalt  }
0x83: {  	_ =	shalt  }
0x84: {  	_ =	shalt  }
0x85: {  	_ =	shalt  }
0x86: {  	_ =	shalt  }
0x87: {  	_ =	shalt  }
.Lfunc_end0:
.L_simem_size_0:
called_computation.3_lowered:
.L_overlay_start_0:
0x88: {  	s2 =	sld [smem:$0x3FD9]  }
0x89: {  	s3 =	sld [smem:$0x3FFE];
	_ =	sdelay $0x1  }
0x8a: {  	s1 =	srdreg.scid  }
0x8b: {  	s0 =	sand.u32 $0x1, s1  }
0x8c: {  	s17 =	sshll.u32 s0, $0xA;
	s2 =	sadd.s32 s3, s2  }
0x8d: {  	s2 =	sadd.s32 s2, s17  }
0x8e: {  	[smem:$0x3FB7] =	sst s2  }
0x8f: {  	_ = 	snop  }
0x90: {  	s2 =	sld [smem:$0x3FD0];
	(tm) =	ssettm $0x1  }
0x91: {  	s18 =	sld [smem:$0x3FFB];
	_ =	sdelay $0x3  }
0x92: {  	_ =	strace s18  }
0x93: {  	s3 =	sld [smem:$0x3FFC];
	_ =	sdelay $0x3  }
0x94: {  	_ =	strace s3  }
0x95: {  	s3 =	sld [smem:$0x3FFD];
	_ =	sdelay $0x3  }
0x96: {  	_ =	strace s3  }
0x97: {  	_ =	strace $0x8FFFFFFF  }
0x98: {  	s19 =	sld [smem:$0x3FDB];
	_ =	sdelay $0x1  }
0x99: {  	s4 =	simm.s32 $_scs_section_size  }
0x9a: {  	s5 =	simm.s32 $_size__tile_overlayer_lowered;
	s6 =	simm.s32 $_tile_overlayer_lowered  }
0x9b: {  	s22 =	simm.s32 $0x1BFF;
	s21 =	sshll.u32 s6, $0x1;
	s3 =	sadd.s32 s4, s19  }
0x9c: {  	s7 =	simm.s32 $0x0;
	s20 =	sshll.u32 s5, $0x1;
	s5 =	sadd.s32 s21, s3  }
0x9d: {  	[timem:s7], [sflag:s22] =	dma.local [hbm:s5], s20  }
0x9e: {  	_ =	swait.ge [sflag:s22], s20  }
0x9f: {  	s4 =	ssub.s32 $0x0, s20;
	[sflag:s22] =	ssyncset.done $0x0  }
0xa0: {  	[sflag:s22] =	ssyncadd.s32 s4;
	_ =	sdelay $0x1  }
0xa1: {  	s23 =	simm.s32 $0x1B8B  }
0xa2: {  	_ =	swait.ge [sflag:s23], $0x1  }
0xa3: {  	[sflag:s23] =	ssyncset.done $0x0  }
0xa4: {  	s25 =	simm.s32 $0x1B8E;
	s24 =	sld [smem:$0x3FFE];
	[sflag:s23] =	ssyncadd.s32 $0xFFFFFFFF  }
0xa5: {  	s26 =	simm.s32 $execute0_lowered;
	[smem:$0x3FD2] =	sst s25  }
0xa6: {  	s5 =	sshll.u32 s26, $0x1;
	_ =	strace $0x8000004F;
	[dreg:$0x1] =	wrdreg $0xFFFFFFFF  }
0xa7: {  	s28 =	simm.s32 $_size_execute0_lowered;
	s3 =	sadd.s32 s3, s5;
	[dreg:$0x0] =	wrdreg $0x0  }
0xa8: {  	s5 =	sshll.u32 s28, $0x1;
	[dreg:$0x2] =	wrdreg s3  }
0xa9: {  	[dreg:$0x3] =	wrdreg s5  }
0xaa: {  	[dreg:$0x4] =	wrdreg $0xC0  }
0xab: {  	_ =	task [dreg:s7], $0x5FFFF  }
0xac: {  	[dreg:$0x1] =	wrdreg $0xFFFFFFFF  }
0xad: {  	[dreg:$0x0] =	wrdreg $0x60  }
0xae: {  	[dreg:$0x2] =	wrdreg s2  }
0xaf: {  	[dreg:$0x3] =	wrdreg s24  }
0xb0: {  	[dreg:$0x4] =	wrdreg $0x7F800  }
0xb1: {  	[dreg:$0x5] =	wrdreg $0x9  }
0xb2: {  	_ =	task.clear_ibuf [dreg:s7], $0x6FFFF;
	_ =	strace $0x9000004F  }
0xb3: {  	s29 =	simm.s32 $0x9;
	_ =	strace $0x80000051  }
0xb4: {  	_ =	swait.ge [sflag:s29], $0x1  }
0xb5: {  	[sflag:s29] =	ssyncadd.s32 $0xFFFFFFFF  }
0xb6: {  	_ =	strace $0x90000051  }
0xb7: {  	_ =	sfence  }
0xb8: {  	s30 =	sld [smem:$0x0];
	_ =	sdelay $0x2  }
0xb9: {  	s31 =	sshll.u32 s1, $0xD;
	s1 =	sshrl.u32 s1, $0x2  }
0xba: {  	s3 =	sand.u32 $0x4000, s31;
	s1 =	sadd.s32 s1, s30  }
0xbb: {  	s0 =	sor.u32 s3, s0;
	s1 =	sshll.u32 s1, $0x11  }
0xbc: {  	s0 =	sor.u32 s1, s0  }
0xbd: {  	s0 =	sadd.s32 $0x8F2B, s0  }
0xbe: {  	[sflag:s0] =	ssyncadd.remote.s32 $0x1  }
0xbf: {  	_ =	sfence.sel $0xFFFF  }
0xc0: {  	[dreg:$0x0] =	wrdreg $0xFFFFFFFF;
	(pc) =	sbr.abs _section_cstart, $3  }
0xc1: {  	[dreg:$0x1] =	wrdreg $0xFFFFFFFF  }
0xc2: {  	_ =	task.clear_ibuf [dreg:s7], $0x2FFFF;
	_ =	strace $0x9FFFFFFF  }
0xc3: {  	(tm) =	ssettm $0x7FFFFFFF  }
tec
execute0_lowered:
.L_overlay_start_1:
0x0: {  	(tag) =	ssettag $0x1  }
0x1: {  	s1 =	rddreg [dreg:$0x0]  }
0x2: {  	s0 =	srdreg.scid;
	s6 =	rddreg [dreg:$0x1]  }
0x3: {  	s3 =	rddreg [dreg:$0x2];
	s4 =	simm.s32 $0x0;
	s14 =	simm.s32 $0x80  }
0x4: {  	s15 =	simm.s32 $0x5000;
	s16 =	simm.s32 $0x1;
	s17 =	simm.s32 $0x0  }
0x5: {  	s5 =	sand.u32 $0x1, s0;
	s0 =	stileid.u32;
	[smem:$0x7FF] =	sst s4  }
0x6: {  	s2 =	sshll.u32 s5, $0x4;
	s9 =	smul.u32 $0x27800, s5;
	s5 =	ssub.s32 $0x2, s5  }
0x7: {  	s8 =	smul.u32 $0x2780, s0;
	s2 =	sor.u32 s0, s2;
	s31 =	sshrl.u32 s5, $0x1  }
0x8: {  	s7 =	smul.u32 $0x500, s2;
	s2 =	rddreg [dreg:$0x3];
	_ =	strace $0x80000050  }
0x9: {  	s30 =	sadd.s32 s8, s9;
	s11 =	sshrl.u32 s8, $0x3;
	s13 =	ssub.s32 s5, s31  }
0xa: {  	s5 =	sadd.s32 s1, s11;
	s10 =	sadd.s32 s7, s6;
	s7 =	sshrl.u32 s30, $0x3  }
0xb: {  	s11 =	simm.s32 $0x5800;
	s12 =	sadd.s32 s7, s6;
	s6 =	sadd.s32 s8, s3  }
0xc: {  	s7 =	sadd.s32 $0xE200, s10;
	s8 =	sadd.s32 $0x4200, s10;
	s10 =	smax.u32 s13, $0x1  }
0xd: {  	s13 =	simm.s32 $0x2800;
	s9 =	sadd.s32 $0x3F400, s12;
	s12 =	simm.s32 $0x2  }
.LBB2_1:
0xe: {  	[tilespmem:s11], [sflag:$0x2] =	stream.linear.gather [hbm4b:s5+s4], $0x2780, $0x38;
	[tilespmem:$0xA700] =	vst v63  }
0xf: {  	_ =	swait.ge [sflag:s12], $0x2780  }
0x10: {  	[sflag:s12] =	ssyncset.done $0x0  }
0x11: {  	[sflag:s12] =	ssyncadd.s32 $0xFFFFD880  }
0x12: {  	[spmem:s6] =	stream.linear.scatter [tilespmem:s11], [sflag:$0x2], $0x2780, $0x38;
	[tilespmem:$0xA700] =	vst v63  }
0x13: {  	_ =	swait.ge [sflag:s12], $0x2780  }
0x14: {  	[sflag:s12] =	ssyncset.done $0x0  }
0x15: {  	[sflag:s12] =	ssyncadd.s32 $0xFFFFD880  }
0x16: {  	[tilespmem:s4], [sflag:$0x2] =	stream.linear.gather [hbm4b:s7+s4], $0x2800, $0x38;
	[tilespmem:$0xA700] =	vst v63  }
0x17: {  	_ =	swait.ge [sflag:s12], $0x2800  }
0x18: {  	[sflag:s12] =	ssyncset.done $0x0  }
0x19: {  	[sflag:s12] =	ssyncadd.s32 $0xFFFFD800  }
0x1a: {  	[tilespmem:s13], [sflag:$0x2] =	stream.linear.gather [hbm4b:s8+s4], $0x2800, $0x38;
	[tilespmem:$0xA700] =	vst v63  }
0x1b: {  	_ =	swait.ge [sflag:s12], $0x2800  }
0x1c: {  	[sflag:s12] =	ssyncset.done $0x0  }
0x1d: {  	[sflag:s12] =	ssyncadd.s32 $0xFFFFD800  }
0x1e: {  	s18 =	simm.s32 $0x0;
	[bflag:$0x0] =	sbarrier.arrive $0xFFFF  }
0x1f: {  	[tilespmem:s15], [sflag:$0x1] =	stream.indirect.gather [hbm4b:s1+s14], $0x10, s18, s14, $0xb8;
	[tilespmem:$0xA700] =	vst v63  }
0x20: {  	_ =	swait.ge [sflag:s16], $0x800  }
0x21: {  	[sflag:s16] =	ssyncset.done $0x0  }
0x22: {  	s31 =	simm.s32 $0x2800;
	[sflag:s16] =	ssyncadd.s32 $0xFFFFF800  }
0x23: {  	[spmem:s3] =	stream.indirect.scatter.add.f32 [tilespmem:s15], [sflag:$0x2], $0x10, s31, s14, $0xb8;
	[tilespmem:$0xA700] =	vst v63  }
0x24: {  	_ =	swait.ge [sflag:s12], $0x800  }
0x25: {  	s19 =	simm.s32 $0x400;
	s18 =	simm.s32 $0x200;
	[sflag:s12] =	ssyncset.done $0x0  }
.LBB2_2:
0x26: {  	s20 =	sshra.s32 s18, $0x2  }
0x27: {  	[sflag:s12] =	ssyncadd.s32 $0xFFFFF800;
	s18 =	smov.u32 s19;
	s21 =	sadd.s32 $0x200, s19  }
0x28: {  	[tilespmem:s15], [sflag:$0x1] =	stream.indirect.gather [hbm4b:s1+s14], $0x10, s20, s14, $0xb8;
	[tilespmem:$0xA700] =	vst v63  }
0x29: {  	p0 =	sne.s32 s19, $0x9E00;
	_ =	swait.ge [sflag:s16], $0x800  }
.Ltmp0:
0x2a: {  	[sflag:s16] =	ssyncset.done $0x0;
	(pc) =	sbr.rel @p0 .LBB2_2-.Ltmp0, $4  }
0x2b: {  	s19 =	sadd.s32 $0x2800, s20;
	[sflag:s16] =	ssyncadd.s32 $0xFFFFF800  }
0x2c: {  	[spmem:s3] =	stream.indirect.scatter.add.f32 [tilespmem:s15], [sflag:$0x2], $0x10, s19, s14, $0xb8;
	[tilespmem:$0xA700] =	vst v63  }
0x2d: {  	_ =	swait.ge [sflag:s12], $0x800  }
0x2e: {  	s19 =	smov.u32 s21;
	[sflag:s12] =	ssyncset.done $0x0  }
0x2f: {  	s18 =	sshra.s32 s18, $0x2;
	[sflag:s12] =	ssyncadd.s32 $0xFFFFF800  }
0x30: {  	[tilespmem:s15], [sflag:$0x1] =	stream.indirect.gather [hbm4b:s1+s14], $0x10, s18, s14, $0xb8;
	[tilespmem:$0xA700] =	vst v63  }
0x31: {  	_ =	swait.ge [sflag:s16], $0x800  }
0x32: {  	[sflag:s16] =	ssyncset.done $0x0  }
0x33: {  	s18 =	sadd.s32 $0x2800, s18;
	[sflag:s16] =	ssyncadd.s32 $0xFFFFF800  }
0x34: {  	[spmem:s3] =	stream.indirect.scatter.add.f32 [tilespmem:s15], [sflag:$0x2], $0x10, s18, s14, $0xb8;
	[tilespmem:$0xA700] =	vst v63  }
0x35: {  	_ =	swait.ge [sflag:s12], $0x800  }
0x36: {  	[sflag:s12] =	ssyncset.done $0x0  }
0x37: {  	[sflag:s12] =	ssyncadd.s32 $0xFFFFF800  }
0x38: {  	[bflag:$0x0] =	sbarrier.arrive $0xFFFF  }
0x39: {  	[tilespmem:s11], [sflag:$0x2] =	stream.linear.gather [spmem:s6], $0x2780, $0x38;
	[tilespmem:$0xA700] =	vst v63  }
0x3a: {  	s17 =	sadd.s32 $0x1, s17;
	_ =	swait.ge [sflag:s12], $0x2780  }
0x3b: {  	p0 =	sne.s32 s17, s10;
	[sflag:s12] =	ssyncset.done $0x0  }
.Ltmp1:
0x3c: {  	[sflag:s12] =	ssyncadd.s32 $0xFFFFD880;
	(pc) =	sbr.rel @p0 .LBB2_1-.Ltmp1, $4  }
0x3d: {  	[hbm4b:s9+s4] =	stream.linear.scatter [tilespmem:s11], [sflag:$0x2], $0x2780, $0x38;
	[tilespmem:$0xA700] =	vst v63  }
0x3e: {  	_ =	swait.ge [sflag:s12], $0x2780  }
0x3f: {  	[sflag:s12] =	ssyncset.done $0x0  }
0x40: {  	[sflag:s12] =	ssyncadd.s32 $0xFFFFD880  }
0x41: {  	_ =	sfence.sel $0x180000  }
0x42: {  	[bflag:$0x0] =	sbarrier.arrive $0xFFFF  }
0x43: {  	p0 =	sne.s32 s0, $0x0;
	_ =	strace $0x90000050  }
0x44: {  	s0 =	sadd.s32 @!p0 $0x100000, s2;
	[bflag:$0x2] =	sbarrier.arrive $0xFFFF  }
0x45: {  	[sflag:s0] =	ssyncadd.tile.s32 @!p0 $0x1;
	_ =	shalt  }
.Lfunc_end2:
_tile_overlayer_lowered:
.L_overlay_start_2:
0x46: {  	(tag) =	ssettag $0x2  }
0x47: {  	s0 =	rddreg [dreg:$0x0];
	s2 =	stileid.u32  }
0x48: {  	s1 =	rddreg [dreg:$0x1];
	p0 =	sne.s32 s2, $0x0  }
0x49: {  	s3 =	rddreg [dreg:$0x2];
	[bflag:$0x3] =	sbarrier.arrive $0xFFFF;
	s2 =	simm.s32 @!p0 $0x1C02  }
0x4a: {  	[timem:s3], [sflag:s2] =	dma.local @!p0 [hbm:s0], s1  }
0x4b: {  	s0 =	simm.s32 @!p0 $0x2  }
0x4c: {  	_ =	swait.ge @!p0 [sflag:s0], s1  }
0x4d: {  	s1 =	ssub.s32 @!p0 $0x0, s1;
	[sflag:s0] =	ssyncset.done @!p0 $0x0  }
0x4e: {  	[sflag:s0] =	ssyncadd.s32 @!p0 s1  }
0x4f: {  	[bflag:$0x3] =	sbarrier.arrive $0xFFFF  }
0x50: {  	_ =	shalt  }

</sc_bundles>
